<compile_context>
chip_gen: v7x
topology: tpu7x:2x2x1
jax: 0.10.2.dev20260603
libtpu: 0.0.44.dev20260713+nightly
codegen_flags: <defaults>
</compile_context>

<pallas_src>
import functools

import jax
import jax.numpy as jnp
from jax import lax
from jax.experimental import pallas as pl
from jax.experimental.pallas import tpu as pltpu
from jax.experimental.pallas import tpu_sc as plsc

F32 = jnp.float32

B, T, D_IN = 32, 1024, 1024
D, D2, K1, K2, DB = 256, 128, 8, 32, 64
R = 512
TILES_PER_B = T // R
N_TILES = B * TILES_PER_B


def _ln(x, g, b):
    mu = jnp.mean(x, axis=-1, keepdims=True)
    var = jnp.mean((x - mu) ** 2, axis=-1, keepdims=True)
    return (x - mu) / jnp.sqrt(var + 1e-5) * g + b


def _l2norm(x):
    n = jnp.sqrt(jnp.sum(x * x, axis=-1, keepdims=True))
    return x / jnp.maximum(n, 1e-12)



def _stage1_body(x_ref, wl1_ref, bl1_ref, gl1_ref, bln1_ref,
                 wl2_ref, bl2_ref, wtb_ref, btb_ref, gtb_ref, btn_ref,
                 h2n_ref, s_ref, q_ref):
    xt = x_ref[0]
    s_ref[0, 0, 0, :] = jnp.sum(xt, axis=0)
    q_ref[0, 0, 0, :] = jnp.sum(xt * xt, axis=0)
    h = jnp.dot(xt, wl1_ref[...], preferred_element_type=F32) + bl1_ref[...]
    h = _ln(h, gl1_ref[...], bln1_ref[...])
    h = jnp.maximum(h, 0.0)
    lp = jnp.dot(h, wl2_ref[...], preferred_element_type=F32) + bl2_ref[...]
    h2 = jnp.dot(lp, wtb_ref[...], preferred_element_type=F32) + btb_ref[...]
    h2 = _ln(h2, gtb_ref[...], btn_ref[...])
    h2n_ref[0] = _l2norm(h2)


def _stage1(x, Wl1, bl1, gl1, bln1, Wl2, bl2, Wtb, btb, gtb, btn):
    const = lambda shape: pl.BlockSpec(shape, lambda i: (0,) * len(shape))
    return pl.pallas_call(
        _stage1_body,
        grid=(N_TILES,),
        in_specs=[
            pl.BlockSpec((1, R, D_IN), lambda i: (i // TILES_PER_B, i % TILES_PER_B, 0)),
            const((D_IN, D)), const((1, D)), const((1, D)), const((1, D)),
            const((D, D)), const((1, D)),
            const((D, DB)), const((1, DB)), const((1, DB)), const((1, DB)),
        ],
        out_specs=[
            pl.BlockSpec((1, R, DB), lambda i: (i // TILES_PER_B, i % TILES_PER_B, 0)),
            pl.BlockSpec((1, 1, 1, D_IN), lambda i: (i // TILES_PER_B, i % TILES_PER_B, 0, 0)),
            pl.BlockSpec((1, 1, 1, D_IN), lambda i: (i // TILES_PER_B, i % TILES_PER_B, 0, 0)),
        ],
        out_shape=[
            jax.ShapeDtypeStruct((B, T, DB), F32),
            jax.ShapeDtypeStruct((B, TILES_PER_B, 1, D_IN), F32),
            jax.ShapeDtypeStruct((B, TILES_PER_B, 1, D_IN), F32),
        ],
        compiler_params=pltpu.CompilerParams(
            dimension_semantics=("arbitrary",)),
    )(x, Wl1, bl1, gl1, bln1, Wl2, bl2, Wtb, btb, gtb, btn)



def _stage2_body(s_ref, q_ref, wg1_ref, bg1_ref, gg1_ref, bgn1_ref,
                 wg2_ref, bg2_ref, wp_ref, bp_ref, gp1_ref, bpn_ref,
                 cb1_ref, cb2f_ref, wfb_ref, bfb_ref, gfb_ref, bfn_ref,
                 idx1_ref, cbn_ref, table_ref):
    s = s_ref[:, 0, 0, :] + s_ref[:, 1, 0, :]
    q = q_ref[:, 0, 0, :] + q_ref[:, 1, 0, :]
    tN = jnp.float32(T)
    mean = s / tN
    var = (q - s * s / tN) / (tN - 1.0)
    std = jnp.sqrt(jnp.maximum(var, 0.0))
    g = mean + std
    gph = _ln(jnp.dot(g, wg1_ref[...], preferred_element_type=F32) + bg1_ref[...],
              gg1_ref[...], bgn1_ref[...])
    gp = jnp.dot(jnp.maximum(gph, 0.0), wg2_ref[...],
                 preferred_element_type=F32) + bg2_ref[...]
    h1 = _ln(jnp.dot(gp, wp_ref[...], preferred_element_type=F32) + bp_ref[...],
             gp1_ref[...], bpn_ref[...])
    h1n = _l2norm(h1)
    cb1n = _l2norm(cb1_ref[...])
    logits1 = lax.dot_general(h1n, cb1n, (((1,), (1,)), ((), ())),
                              preferred_element_type=F32)
    idx1 = jnp.argmax(logits1, axis=-1).astype(jnp.int32)
    idx1_ref[0, :] = idx1
    cb2f = cb2f_ref[...]
    cbn_ref[...] = _l2norm(cb2f).reshape(K1, K2, DB)
    table_ref[...] = _ln(jnp.dot(cb2f, wfb_ref[...],
                                 preferred_element_type=F32) + bfb_ref[...],
                         gfb_ref[...], bfn_ref[...])


def _stage2(s, q, Wg1, bg1, gg1, bgn1, Wg2, bg2, Wp, bp, gp1, bpn,
            cb1, cb2f, Wfb, bfb, gfb, bfn):
    return pl.pallas_call(
        _stage2_body,
        out_shape=[
            jax.ShapeDtypeStruct((1, B), jnp.int32),
            jax.ShapeDtypeStruct((K1, K2, DB), F32),
            jax.ShapeDtypeStruct((K1 * K2, D), F32),
        ],
    )(s, q, Wg1, bg1, gg1, bgn1, Wg2, bg2, Wp, bp, gp1, bpn,
      cb1, cb2f, Wfb, bfb, gfb, bfn)



def _stage3_body(idx1_ref, h2n_ref, cbn_ref, flat_ref):
    b = pl.program_id(0)
    h = h2n_ref[0]
    cb = cbn_ref[0]
    logits = lax.dot_general(h, cb, (((1,), (1,)), ((), ())),
                             preferred_element_type=F32)
    idx2 = jnp.argmax(logits, axis=-1).astype(jnp.int32)
    flat_ref[0, 0, :] = idx1_ref[b] * K2 + idx2


def _stage3(idx1, h2n, cbn):
    grid_spec = pltpu.PrefetchScalarGridSpec(
        num_scalar_prefetch=1,
        grid=(B,),
        in_specs=[
            pl.BlockSpec((1, T, DB), lambda b, idx1: (b, 0, 0)),
            pl.BlockSpec((1, K2, DB), lambda b, idx1: (idx1[b], 0, 0)),
        ],
        out_specs=pl.BlockSpec((1, 1, T), lambda b, idx1: (b, 0, 0)),
    )
    return pl.pallas_call(
        _stage3_body,
        grid_spec=grid_spec,
        out_shape=jax.ShapeDtypeStruct((B, 1, T), jnp.int32),
    )(idx1, h2n, cbn)



N_ROWS = B * T
NW = 32
ROWS_PER_W = N_ROWS // NW
CHUNK = 128
N_CHUNKS = ROWS_PER_W // CHUNK


def _gather_body(table_hbm, idx_hbm, out_hbm, idx_v, rows0, rows1, sem0, sem1):
    c = lax.axis_index("c")
    s = lax.axis_index("s")
    wid = s * 2 + c
    base = wid * ROWS_PER_W
    pltpu.sync_copy(idx_hbm.at[pl.ds(base, ROWS_PER_W)], idx_v)
    bufs = (rows0, rows1)
    sems = (sem0, sem1)
    copies = [None] * N_CHUNKS
    copies[0] = pltpu.async_copy(
        table_hbm.at[idx_v.at[pl.ds(0, CHUNK)]], bufs[0], sems[0])
    for ci in range(N_CHUNKS):
        if ci + 1 < N_CHUNKS:
            copies[ci + 1] = pltpu.async_copy(
                table_hbm.at[idx_v.at[pl.ds((ci + 1) * CHUNK, CHUNK)]],
                bufs[(ci + 1) % 2], sems[(ci + 1) % 2])
        copies[ci].wait()
        pltpu.sync_copy(bufs[ci % 2],
                        out_hbm.at[pl.ds(base + ci * CHUNK, CHUNK)])


def _stage4(table, flat_idx):
    mesh = plsc.VectorSubcoreMesh(core_axis_name="c", subcore_axis_name="s")
    fn = functools.partial(
        pl.kernel,
        mesh=mesh,
        out_type=jax.ShapeDtypeStruct((N_ROWS, D), F32),
        scratch_types=[
            pltpu.VMEM((ROWS_PER_W,), jnp.int32),
            pltpu.VMEM((CHUNK, D), F32),
            pltpu.VMEM((CHUNK, D), F32),
            pltpu.SemaphoreType.DMA,
            pltpu.SemaphoreType.DMA,
        ],
    )(_gather_body)
    return fn(table, flat_idx)



def kernel(x, We1, be1, We2, be2, Wf1, bf1, Wf2, bf2, Wg1, bg1, gg1, bgn1,
           Wg2, bg2, Wl1, bl1, gl1, bln1, Wl2, bl2, Wp, bp, gp1, bpn, cb1,
           Wtb, btb, gtb, btn, cb2, Wfb, bfb, gfb, bfn):
    row = lambda v: v.reshape(1, -1)
    h2n, s, q = _stage1(x, Wl1, row(bl1), row(gl1), row(bln1),
                        Wl2, row(bl2), Wtb, row(btb), row(gtb), row(btn))
    idx1, cbn, table = _stage2(
        s, q, Wg1, row(bg1), row(gg1), row(bgn1), Wg2, row(bg2),
        Wp, row(bp), row(gp1), row(bpn), cb1, cb2.reshape(K1 * K2, DB),
        Wfb, row(bfb), row(gfb), row(bfn))
    flat = _stage3(idx1.reshape(B), h2n, cbn)
    out = _stage4(table, flat.reshape(N_ROWS))
    return out.reshape(B, T, D)

# --- scband reference (transcript-rebuilt; emitter-appended) ---
"""Pipeline reference for scband-hierarchical-vqencoder-80616536146015 (READ-ONLY COPY).

The authoritative reference and input builder live on the scoring server;
editing this copy changes nothing except your own understanding.
"""

import jax, jax.numpy as jnp
import numpy as np


def _ln(x, g, b):
    mu = jnp.mean(x, axis=-1, keepdims=True)
    var = jnp.mean((x - mu) ** 2, axis=-1, keepdims=True)
    return (x - mu) / jnp.sqrt(var + 1e-5) * g + b


def _l2norm(x):
    n = jnp.linalg.norm(x, axis=-1, keepdims=True)
    return x / jnp.maximum(n, 1e-12)


def _forward(x, We1, be1, We2, be2, Wf1, bf1, Wf2, bf2,
             Wg1, bg1, gg1, bgn1, Wg2, bg2,
             Wl1, bl1, gl1, bln1, Wl2, bl2,
             Wp, bp, gp1, bpn, cb1,
             Wtb, btb, gtb, btn, cb2, Wfb, bfb, gfb, bfn):
    n_l1 = cb1.shape[0]
    n_l2 = cb2.shape[1]
    # ProsodyFeatureExtractor
    energy = jnp.maximum(x @ We1 + be1, 0.0) @ We2 + be2            # (B,T,1)
    f0_features = jnp.maximum(x @ Wf1 + bf1, 0.0) @ Wf2 + bf2      # (B,T,32)
    x_mean = jnp.mean(x, axis=1)
    x_std = jnp.std(x, axis=1, ddof=1)                              # torch unbiased std
    global_input = x_mean + x_std
    gph = _ln(global_input @ Wg1 + bg1, gg1, bgn1)
    global_prosody = jnp.maximum(gph, 0.0) @ Wg2 + bg2              # (B, d_model//2)
    lph = _ln(x @ Wl1 + bl1, gl1, bln1)
    local_prosody = jnp.maximum(lph, 0.0) @ Wl2 + bl2               # (B,T,d_model)
    # Level1Quantizer (eval mode: no gumbel noise, no EMA)
    h1 = _ln(global_prosody @ Wp + bp, gp1, bpn)
    h1n = _l2norm(h1)
    cb1n = _l2norm(cb1)
    logits1 = h1n @ cb1n.T  # temperature = 1.0
    soft1 = jax.nn.softmax(logits1, axis=-1)
    idx1 = jnp.argmax(logits1, axis=-1)                              # (B,)
    hard1 = jax.nn.one_hot(idx1, n_l1, dtype=logits1.dtype)
    assign1 = hard1 + soft1 - jax.lax.stop_gradient(soft1)
    l1_embedding = assign1 @ cb1                                     # (B, d_model//2)
    # Level2Quantizer (vectorized over batch instead of python loop)
    h2 = _ln(local_prosody @ Wtb + btb, gtb, btn)                    # (B,T,bottleneck)
    h2n = _l2norm(h2)
    cb_b = cb2[idx1]                                                 # gather per-utterance codebook (B,K2,Db)
    cb_bn = _l2norm(cb_b)
    logits2 = jnp.einsum('btd,bkd->btk', h2n, cb_bn)
    soft2 = jax.nn.softmax(logits2, axis=-1)
    idx2 = jnp.argmax(logits2, axis=-1)                              # (B,T)
    hard2 = jax.nn.one_hot(idx2, n_l2, dtype=logits2.dtype)
    assign2 = hard2 + soft2 - jax.lax.stop_gradient(soft2)
    emb_low = jnp.einsum('btk,bkd->btd', assign2, cb_b)              # (B,T,bottleneck)
    l2_embedding = _ln(emb_low @ Wfb + bfb, gfb, bfn)                # (B,T,d_model)
    return l2_embedding


def setup_inputs(seed: int = 0):
    key = jax.random.key(seed)
    ks = jax.random.split(key, 40)
    f32 = jnp.float32
    def rnd(k, shape, s=0.02):
        return jax.random.normal(k, shape, dtype=f32) * s
    D_in, D, D2, K1, K2, Db = 1024, 256, 128, 8, 32, 64
    inp = {}
    inp['x'] = jax.random.normal(ks[0], (32, 1024, D_in), dtype=f32)
    inp['We1'] = rnd(ks[1], (D_in, 128)); inp['be1'] = jnp.zeros((128,), f32)
    inp['We2'] = rnd(ks[2], (128, 1));    inp['be2'] = jnp.zeros((1,), f32)
    inp['Wf1'] = rnd(ks[3], (D_in, 128)); inp['bf1'] = jnp.zeros((128,), f32)
    inp['Wf2'] = rnd(ks[4], (128, 32));   inp['bf2'] = jnp.zeros((32,), f32)
    inp['Wg1'] = rnd(ks[5], (D_in, D));   inp['bg1'] = jnp.zeros((D,), f32)
    inp['gg1'] = jnp.ones((D,), f32);     inp['bgn1'] = jnp.zeros((D,), f32)
    inp['Wg2'] = rnd(ks[6], (D, D2));     inp['bg2'] = jnp.zeros((D2,), f32)
    inp['Wl1'] = rnd(ks[7], (D_in, D));   inp['bl1'] = jnp.zeros((D,), f32)
    inp['gl1'] = jnp.ones((D,), f32);     inp['bln1'] = jnp.zeros((D,), f32)
    inp['Wl2'] = rnd(ks[8], (D, D));      inp['bl2'] = jnp.zeros((D,), f32)
    inp['Wp'] = rnd(ks[9], (D2, D2));     inp['bp'] = jnp.zeros((D2,), f32)
    inp['gp1'] = jnp.ones((D2,), f32);    inp['bpn'] = jnp.zeros((D2,), f32)
    inp['cb1'] = rnd(ks[10], (K1, D2), 0.1)
    inp['Wtb'] = rnd(ks[11], (D, Db));    inp['btb'] = jnp.zeros((Db,), f32)
    inp['gtb'] = jnp.ones((Db,), f32);    inp['btn'] = jnp.zeros((Db,), f32)
    inp['cb2'] = rnd(ks[12], (K1, K2, Db), 0.1)
    inp['Wfb'] = rnd(ks[13], (Db, D));    inp['bfb'] = jnp.zeros((D,), f32)
    inp['gfb'] = jnp.ones((D,), f32);     inp['bfn'] = jnp.zeros((D,), f32)
    return inp


def reference(x, We1, be1, We2, be2, Wf1, bf1, Wf2, bf2,
              Wg1, bg1, gg1, bgn1, Wg2, bg2,
              Wl1, bl1, gl1, bln1, Wl2, bl2,
              Wp, bp, gp1, bpn, cb1,
              Wtb, btb, gtb, btn, cb2, Wfb, bfb, gfb, bfn):
    return _forward(x, We1, be1, We2, be2, Wf1, bf1, Wf2, bf2,
                    Wg1, bg1, gg1, bgn1, Wg2, bg2,
                    Wl1, bl1, gl1, bln1, Wl2, bl2,
                    Wp, bp, gp1, bpn, cb1,
                    Wtb, btb, gtb, btn, cb2, Wfb, bfb, gfb, bfn)

if __name__ == "__main__":
    import jax
    _d = setup_inputs()
    print(jax.jit(kernel)(*tuple(_d.values())))

</pallas_src>

<mosaic_0001>
#map = affine_map<(d0, d1) -> (0, 0)>
#map1 = affine_map<(d0, d1) -> (0)>
module attributes {stable_mosaic.version = 14 : i64} {
  func.func @_gather_body(%arg0: i32, %arg1: i32, %arg2: memref<256x256xf32, #tpu.memory_space<hbm>>, %arg3: memref<32768xi32, #tpu.memory_space<hbm>>, %arg4: memref<32768x256xf32, #tpu.memory_space<hbm>>, %arg5: memref<1024xi32, #tpu.memory_space<vmem>>, %arg6: memref<128x256xf32, #tpu.memory_space<vmem>>, %arg7: memref<128x256xf32, #tpu.memory_space<vmem>>, %arg8: memref<!tpu.dma_semaphore, #tpu.memory_space<semaphore_mem>>, %arg9: memref<!tpu.dma_semaphore, #tpu.memory_space<semaphore_mem>>) attributes {dimension_semantics = [#tpu.dimension_semantics<core_parallel>, #tpu.dimension_semantics<subcore_parallel>], iteration_bounds = array<i64: 2, 16>, scalar_prefetch = 0 : i64, scratch_operands = 5 : i64, tpu.core_type = #tpu.core_type<sc_vector_subcore>, window_params = [{transform_indices = #map}, {transform_indices = #map1}, {transform_indices = #map}]} {
    %mul3A = arith.constant 2 : i32
    %mul3A_0 = arith.muli %arg1, %mul3A : i32
    %add3A = arith.addi %mul3A_0, %arg0 : i32
    %mul3A_1 = arith.constant 1024 : i32
    %mul3A_2 = arith.muli %add3A, %mul3A_1 : i32
    "tpu.region"() ({
      %run_scoped3A = tpu.sem_alloc : memref<!tpu.dma_semaphore, #tpu.memory_space<semaphore_mem>>
      %dma_start3A_97 = tpu.memref_slice %arg3[%mul3A_2] : memref<32768xi32, #tpu.memory_space<hbm>> -> memref<1024xi32, #tpu.memory_space<hbm>>
      %dma_start3A_98 = tpu.memref_slice %arg3[%mul3A_2] : memref<32768xi32, #tpu.memory_space<hbm>> -> memref<1024xi32, #tpu.memory_space<hbm>>
      tpu.enqueue_dma source(%dma_start3A_98 : memref<1024xi32, #tpu.memory_space<hbm>>) target(%arg5 : memref<1024xi32, #tpu.memory_space<vmem>>) target_semaphore(%run_scoped3A : memref<!tpu.dma_semaphore, #tpu.memory_space<semaphore_mem>>)
      %dma_wait3A_99 = tpu.memref_slice %arg3[%mul3A_2] : memref<32768xi32, #tpu.memory_space<hbm>> -> memref<1024xi32, #tpu.memory_space<hbm>>
      %dma_wait3A_100 = tpu.memref_slice %arg3[%mul3A_2] : memref<32768xi32, #tpu.memory_space<hbm>> -> memref<1024xi32, #tpu.memory_space<hbm>>
      tpu.wait_dma2 semaphore(%run_scoped3A : memref<!tpu.dma_semaphore, #tpu.memory_space<semaphore_mem>>) src(%dma_wait3A_100 : memref<1024xi32, #tpu.memory_space<hbm>>) dst(%arg5 : memref<1024xi32, #tpu.memory_space<vmem>>)
      tpu.yield
    }) : () -> ()
    %dma_start3A = arith.constant 0 : i32
    %dma_start3A_3 = tpu.memref_slice %arg5[%dma_start3A] : memref<1024xi32, #tpu.memory_space<vmem>> -> memref<128xi32, #tpu.memory_space<vmem>>
    %dma_start3A_4 = arith.constant 0 : i32
    %dma_start3A_5 = arith.constant 0 : i32
    %dma_start3A_6 = tpu.memref_slice %arg2[%dma_start3A_4, %dma_start3A_5] : memref<256x256xf32, #tpu.memory_space<hbm>> -> memref<256x256xf32, #tpu.memory_space<hbm>>
    tpu.enqueue_indirect_dma source(%dma_start3A_6 : memref<256x256xf32, #tpu.memory_space<hbm>>) target(%arg6 : memref<128x256xf32, #tpu.memory_space<vmem>>) offsets(%dma_start3A_3 : memref<128xi32, #tpu.memory_space<vmem>>) semaphore(%arg8 : memref<!tpu.dma_semaphore, #tpu.memory_space<semaphore_mem>>)
    %dma_start3A_7 = arith.constant 128 : i32
    %dma_start3A_8 = tpu.memref_slice %arg5[%dma_start3A_7] : memref<1024xi32, #tpu.memory_space<vmem>> -> memref<128xi32, #tpu.memory_space<vmem>>
    %dma_start3A_9 = arith.constant 0 : i32
    %dma_start3A_10 = arith.constant 0 : i32
    %dma_start3A_11 = tpu.memref_slice %arg2[%dma_start3A_9, %dma_start3A_10] : memref<256x256xf32, #tpu.memory_space<hbm>> -> memref<256x256xf32, #tpu.memory_space<hbm>>
    tpu.enqueue_indirect_dma source(%dma_start3A_11 : memref<256x256xf32, #tpu.memory_space<hbm>>) target(%arg7 : memref<128x256xf32, #tpu.memory_space<vmem>>) offsets(%dma_start3A_8 : memref<128xi32, #tpu.memory_space<vmem>>) semaphore(%arg9 : memref<!tpu.dma_semaphore, #tpu.memory_space<semaphore_mem>>)
    %dma_wait3A = arith.constant 0 : i32
    %dma_wait3A_12 = tpu.memref_slice %arg5[%dma_wait3A] : memref<1024xi32, #tpu.memory_space<vmem>> -> memref<128xi32, #tpu.memory_space<vmem>>
    %dma_wait3A_13 = arith.constant 0 : i32
    %dma_wait3A_14 = arith.constant 0 : i32
    %dma_wait3A_15 = tpu.memref_slice %arg2[%dma_wait3A_13, %dma_wait3A_14] : memref<256x256xf32, #tpu.memory_space<hbm>> -> memref<256x256xf32, #tpu.memory_space<hbm>>
    tpu.wait_indirect_dma semaphore(%arg8 : memref<!tpu.dma_semaphore, #tpu.memory_space<semaphore_mem>>) src(%dma_wait3A_15 : memref<256x256xf32, #tpu.memory_space<hbm>>) dst(%arg6 : memref<128x256xf32, #tpu.memory_space<vmem>>)
    %add3A_16 = arith.constant 0 : i32
    %add3A_17 = arith.addi %mul3A_2, %add3A_16 : i32
    "tpu.region"() ({
      %run_scoped3A = tpu.sem_alloc : memref<!tpu.dma_semaphore, #tpu.memory_space<semaphore_mem>>
      %dma_start3A_97 = arith.constant 0 : i32
      %dma_start3A_98 = tpu.memref_slice %arg4[%add3A_17, %dma_start3A_97] : memref<32768x256xf32, #tpu.memory_space<hbm>> -> memref<128x256xf32, #tpu.memory_space<hbm>>
      %dma_start3A_99 = arith.constant 0 : i32
      %dma_start3A_100 = tpu.memref_slice %arg4[%add3A_17, %dma_start3A_99] : memref<32768x256xf32, #tpu.memory_space<hbm>> -> memref<128x256xf32, #tpu.memory_space<hbm>>
      tpu.enqueue_dma source(%arg6 : memref<128x256xf32, #tpu.memory_space<vmem>>) target(%dma_start3A_100 : memref<128x256xf32, #tpu.memory_space<hbm>>) target_semaphore(%run_scoped3A : memref<!tpu.dma_semaphore, #tpu.memory_space<semaphore_mem>>)
      %dma_wait3A_101 = arith.constant 0 : i32
      %dma_wait3A_102 = tpu.memref_slice %arg4[%add3A_17, %dma_wait3A_101] : memref<32768x256xf32, #tpu.memory_space<hbm>> -> memref<128x256xf32, #tpu.memory_space<hbm>>
      %dma_wait3A_103 = arith.constant 0 : i32
      %dma_wait3A_104 = tpu.memref_slice %arg4[%add3A_17, %dma_wait3A_103] : memref<32768x256xf32, #tpu.memory_space<hbm>> -> memref<128x256xf32, #tpu.memory_space<hbm>>
      tpu.wait_dma2 semaphore(%run_scoped3A : memref<!tpu.dma_semaphore, #tpu.memory_space<semaphore_mem>>) src(%arg6 : memref<128x256xf32, #tpu.memory_space<vmem>>) dst(%dma_wait3A_104 : memref<128x256xf32, #tpu.memory_space<hbm>>)
      tpu.yield
    }) : () -> ()
    %dma_start3A_18 = arith.constant 256 : i32
    %dma_start3A_19 = tpu.memref_slice %arg5[%dma_start3A_18] : memref<1024xi32, #tpu.memory_space<vmem>> -> memref<128xi32, #tpu.memory_space<vmem>>
    %dma_start3A_20 = arith.constant 0 : i32
    %dma_start3A_21 = arith.constant 0 : i32
    %dma_start3A_22 = tpu.memref_slice %arg2[%dma_start3A_20, %dma_start3A_21] : memref<256x256xf32, #tpu.memory_space<hbm>> -> memref<256x256xf32, #tpu.memory_space<hbm>>
    tpu.enqueue_indirect_dma source(%dma_start3A_22 : memref<256x256xf32, #tpu.memory_space<hbm>>) target(%arg6 : memref<128x256xf32, #tpu.memory_space<vmem>>) offsets(%dma_start3A_19 : memref<128xi32, #tpu.memory_space<vmem>>) semaphore(%arg8 : memref<!tpu.dma_semaphore, #tpu.memory_space<semaphore_mem>>)
    %dma_wait3A_23 = arith.constant 128 : i32
    %dma_wait3A_24 = tpu.memref_slice %arg5[%dma_wait3A_23] : memref<1024xi32, #tpu.memory_space<vmem>> -> memref<128xi32, #tpu.memory_space<vmem>>
    %dma_wait3A_25 = arith.constant 0 : i32
    %dma_wait3A_26 = arith.constant 0 : i32
    %dma_wait3A_27 = tpu.memref_slice %arg2[%dma_wait3A_25, %dma_wait3A_26] : memref<256x256xf32, #tpu.memory_space<hbm>> -> memref<256x256xf32, #tpu.memory_space<hbm>>
    tpu.wait_indirect_dma semaphore(%arg9 : memref<!tpu.dma_semaphore, #tpu.memory_space<semaphore_mem>>) src(%dma_wait3A_27 : memref<256x256xf32, #tpu.memory_space<hbm>>) dst(%arg7 : memref<128x256xf32, #tpu.memory_space<vmem>>)
    %add3A_28 = arith.constant 128 : i32
    %add3A_29 = arith.addi %mul3A_2, %add3A_28 : i32
    "tpu.region"() ({
      %run_scoped3A = tpu.sem_alloc : memref<!tpu.dma_semaphore, #tpu.memory_space<semaphore_mem>>
      %dma_start3A_97 = arith.constant 0 : i32
      %dma_start3A_98 = tpu.memref_slice %arg4[%add3A_29, %dma_start3A_97] : memref<32768x256xf32, #tpu.memory_space<hbm>> -> memref<128x256xf32, #tpu.memory_space<hbm>>
      %dma_start3A_99 = arith.constant 0 : i32
      %dma_start3A_100 = tpu.memref_slice %arg4[%add3A_29, %dma_start3A_99] : memref<32768x256xf32, #tpu.memory_space<hbm>> -> memref<128x256xf32, #tpu.memory_space<hbm>>
      tpu.enqueue_dma source(%arg7 : memref<128x256xf32, #tpu.memory_space<vmem>>) target(%dma_start3A_100 : memref<128x256xf32, #tpu.memory_space<hbm>>) target_semaphore(%run_scoped3A : memref<!tpu.dma_semaphore, #tpu.memory_space<semaphore_mem>>)
      %dma_wait3A_101 = arith.constant 0 : i32
      %dma_wait3A_102 = tpu.memref_slice %arg4[%add3A_29, %dma_wait3A_101] : memref<32768x256xf32, #tpu.memory_space<hbm>> -> memref<128x256xf32, #tpu.memory_space<hbm>>
      %dma_wait3A_103 = arith.constant 0 : i32
      %dma_wait3A_104 = tpu.memref_slice %arg4[%add3A_29, %dma_wait3A_103] : memref<32768x256xf32, #tpu.memory_space<hbm>> -> memref<128x256xf32, #tpu.memory_space<hbm>>
      tpu.wait_dma2 semaphore(%run_scoped3A : memref<!tpu.dma_semaphore, #tpu.memory_space<semaphore_mem>>) src(%arg7 : memref<128x256xf32, #tpu.memory_space<vmem>>) dst(%dma_wait3A_104 : memref<128x256xf32, #tpu.memory_space<hbm>>)
      tpu.yield
    }) : () -> ()
    %dma_start3A_30 = arith.constant 384 : i32
    %dma_start3A_31 = tpu.memref_slice %arg5[%dma_start3A_30] : memref<1024xi32, #tpu.memory_space<vmem>> -> memref<128xi32, #tpu.memory_space<vmem>>
    %dma_start3A_32 = arith.constant 0 : i32
    %dma_start3A_33 = arith.constant 0 : i32
    %dma_start3A_34 = tpu.memref_slice %arg2[%dma_start3A_32, %dma_start3A_33] : memref<256x256xf32, #tpu.memory_space<hbm>> -> memref<256x256xf32, #tpu.memory_space<hbm>>
    tpu.enqueue_indirect_dma source(%dma_start3A_34 : memref<256x256xf32, #tpu.memory_space<hbm>>) target(%arg7 : memref<128x256xf32, #tpu.memory_space<vmem>>) offsets(%dma_start3A_31 : memref<128xi32, #tpu.memory_space<vmem>>) semaphore(%arg9 : memref<!tpu.dma_semaphore, #tpu.memory_space<semaphore_mem>>)
    %dma_wait3A_35 = arith.constant 256 : i32
    %dma_wait3A_36 = tpu.memref_slice %arg5[%dma_wait3A_35] : memref<1024xi32, #tpu.memory_space<vmem>> -> memref<128xi32, #tpu.memory_space<vmem>>
    %dma_wait3A_37 = arith.constant 0 : i32
    %dma_wait3A_38 = arith.constant 0 : i32
    %dma_wait3A_39 = tpu.memref_slice %arg2[%dma_wait3A_37, %dma_wait3A_38] : memref<256x256xf32, #tpu.memory_space<hbm>> -> memref<256x256xf32, #tpu.memory_space<hbm>>
    tpu.wait_indirect_dma semaphore(%arg8 : memref<!tpu.dma_semaphore, #tpu.memory_space<semaphore_mem>>) src(%dma_wait3A_39 : memref<256x256xf32, #tpu.memory_space<hbm>>) dst(%arg6 : memref<128x256xf32, #tpu.memory_space<vmem>>)
    %add3A_40 = arith.constant 256 : i32
    %add3A_41 = arith.addi %mul3A_2, %add3A_40 : i32
    "tpu.region"() ({
      %run_scoped3A = tpu.sem_alloc : memref<!tpu.dma_semaphore, #tpu.memory_space<semaphore_mem>>
      %dma_start3A_97 = arith.constant 0 : i32
      %dma_start3A_98 = tpu.memref_slice %arg4[%add3A_41, %dma_start3A_97] : memref<32768x256xf32, #tpu.memory_space<hbm>> -> memref<128x256xf32, #tpu.memory_space<hbm>>
      %dma_start3A_99 = arith.constant 0 : i32
      %dma_start3A_100 = tpu.memref_slice %arg4[%add3A_41, %dma_start3A_99] : memref<32768x256xf32, #tpu.memory_space<hbm>> -> memref<128x256xf32, #tpu.memory_space<hbm>>
      tpu.enqueue_dma source(%arg6 : memref<128x256xf32, #tpu.memory_space<vmem>>) target(%dma_start3A_100 : memref<128x256xf32, #tpu.memory_space<hbm>>) target_semaphore(%run_scoped3A : memref<!tpu.dma_semaphore, #tpu.memory_space<semaphore_mem>>)
      %dma_wait3A_101 = arith.constant 0 : i32
      %dma_wait3A_102 = tpu.memref_slice %arg4[%add3A_41, %dma_wait3A_101] : memref<32768x256xf32, #tpu.memory_space<hbm>> -> memref<128x256xf32, #tpu.memory_space<hbm>>
      %dma_wait3A_103 = arith.constant 0 : i32
      %dma_wait3A_104 = tpu.memref_slice %arg4[%add3A_41, %dma_wait3A_103] : memref<32768x256xf32, #tpu.memory_space<hbm>> -> memref<128x256xf32, #tpu.memory_space<hbm>>
      tpu.wait_dma2 semaphore(%run_scoped3A : memref<!tpu.dma_semaphore, #tpu.memory_space<semaphore_mem>>) src(%arg6 : memref<128x256xf32, #tpu.memory_space<vmem>>) dst(%dma_wait3A_104 : memref<128x256xf32, #tpu.memory_space<hbm>>)
      tpu.yield
    }) : () -> ()
    %dma_start3A_42 = arith.constant 512 : i32
    %dma_start3A_43 = tpu.memref_slice %arg5[%dma_start3A_42] : memref<1024xi32, #tpu.memory_space<vmem>> -> memref<128xi32, #tpu.memory_space<vmem>>
    %dma_start3A_44 = arith.constant 0 : i32
    %dma_start3A_45 = arith.constant 0 : i32
    %dma_start3A_46 = tpu.memref_slice %arg2[%dma_start3A_44, %dma_start3A_45] : memref<256x256xf32, #tpu.memory_space<hbm>> -> memref<256x256xf32, #tpu.memory_space<hbm>>
    tpu.enqueue_indirect_dma source(%dma_start3A_46 : memref<256x256xf32, #tpu.memory_space<hbm>>) target(%arg6 : memref<128x256xf32, #tpu.memory_space<vmem>>) offsets(%dma_start3A_43 : memref<128xi32, #tpu.memory_space<vmem>>) semaphore(%arg8 : memref<!tpu.dma_semaphore, #tpu.memory_space<semaphore_mem>>)
    %dma_wait3A_47 = arith.constant 384 : i32
    %dma_wait3A_48 = tpu.memref_slice %arg5[%dma_wait3A_47] : memref<1024xi32, #tpu.memory_space<vmem>> -> memref<128xi32, #tpu.memory_space<vmem>>
    %dma_wait3A_49 = arith.constant 0 : i32
    %dma_wait3A_50 = arith.constant 0 : i32
    %dma_wait3A_51 = tpu.memref_slice %arg2[%dma_wait3A_49, %dma_wait3A_50] : memref<256x256xf32, #tpu.memory_space<hbm>> -> memref<256x256xf32, #tpu.memory_space<hbm>>
    tpu.wait_indirect_dma semaphore(%arg9 : memref<!tpu.dma_semaphore, #tpu.memory_space<semaphore_mem>>) src(%dma_wait3A_51 : memref<256x256xf32, #tpu.memory_space<hbm>>) dst(%arg7 : memref<128x256xf32, #tpu.memory_space<vmem>>)
    %add3A_52 = arith.constant 384 : i32
    %add3A_53 = arith.addi %mul3A_2, %add3A_52 : i32
    "tpu.region"() ({
      %run_scoped3A = tpu.sem_alloc : memref<!tpu.dma_semaphore, #tpu.memory_space<semaphore_mem>>
      %dma_start3A_97 = arith.constant 0 : i32
      %dma_start3A_98 = tpu.memref_slice %arg4[%add3A_53, %dma_start3A_97] : memref<32768x256xf32, #tpu.memory_space<hbm>> -> memref<128x256xf32, #tpu.memory_space<hbm>>
      %dma_start3A_99 = arith.constant 0 : i32
      %dma_start3A_100 = tpu.memref_slice %arg4[%add3A_53, %dma_start3A_99] : memref<32768x256xf32, #tpu.memory_space<hbm>> -> memref<128x256xf32, #tpu.memory_space<hbm>>
      tpu.enqueue_dma source(%arg7 : memref<128x256xf32, #tpu.memory_space<vmem>>) target(%dma_start3A_100 : memref<128x256xf32, #tpu.memory_space<hbm>>) target_semaphore(%run_scoped3A : memref<!tpu.dma_semaphore, #tpu.memory_space<semaphore_mem>>)
      %dma_wait3A_101 = arith.constant 0 : i32
      %dma_wait3A_102 = tpu.memref_slice %arg4[%add3A_53, %dma_wait3A_101] : memref<32768x256xf32, #tpu.memory_space<hbm>> -> memref<128x256xf32, #tpu.memory_space<hbm>>
      %dma_wait3A_103 = arith.constant 0 : i32
      %dma_wait3A_104 = tpu.memref_slice %arg4[%add3A_53, %dma_wait3A_103] : memref<32768x256xf32, #tpu.memory_space<hbm>> -> memref<128x256xf32, #tpu.memory_space<hbm>>
      tpu.wait_dma2 semaphore(%run_scoped3A : memref<!tpu.dma_semaphore, #tpu.memory_space<semaphore_mem>>) src(%arg7 : memref<128x256xf32, #tpu.memory_space<vmem>>) dst(%dma_wait3A_104 : memref<128x256xf32, #tpu.memory_space<hbm>>)
      tpu.yield
    }) : () -> ()
    %dma_start3A_54 = arith.constant 640 : i32
    %dma_start3A_55 = tpu.memref_slice %arg5[%dma_start3A_54] : memref<1024xi32, #tpu.memory_space<vmem>> -> memref<128xi32, #tpu.memory_space<vmem>>
    %dma_start3A_56 = arith.constant 0 : i32
    %dma_start3A_57 = arith.constant 0 : i32
    %dma_start3A_58 = tpu.memref_slice %arg2[%dma_start3A_56, %dma_start3A_57] : memref<256x256xf32, #tpu.memory_space<hbm>> -> memref<256x256xf32, #tpu.memory_space<hbm>>
    tpu.enqueue_indirect_dma source(%dma_start3A_58 : memref<256x256xf32, #tpu.memory_space<hbm>>) target(%arg7 : memref<128x256xf32, #tpu.memory_space<vmem>>) offsets(%dma_start3A_55 : memref<128xi32, #tpu.memory_space<vmem>>) semaphore(%arg9 : memref<!tpu.dma_semaphore, #tpu.memory_space<semaphore_mem>>)
    %dma_wait3A_59 = arith.constant 512 : i32
    %dma_wait3A_60 = tpu.memref_slice %arg5[%dma_wait3A_59] : memref<1024xi32, #tpu.memory_space<vmem>> -> memref<128xi32, #tpu.memory_space<vmem>>
    %dma_wait3A_61 = arith.constant 0 : i32
    %dma_wait3A_62 = arith.constant 0 : i32
    %dma_wait3A_63 = tpu.memref_slice %arg2[%dma_wait3A_61, %dma_wait3A_62] : memref<256x256xf32, #tpu.memory_space<hbm>> -> memref<256x256xf32, #tpu.memory_space<hbm>>
    tpu.wait_indirect_dma semaphore(%arg8 : memref<!tpu.dma_semaphore, #tpu.memory_space<semaphore_mem>>) src(%dma_wait3A_63 : memref<256x256xf32, #tpu.memory_space<hbm>>) dst(%arg6 : memref<128x256xf32, #tpu.memory_space<vmem>>)
    %add3A_64 = arith.constant 512 : i32
    %add3A_65 = arith.addi %mul3A_2, %add3A_64 : i32
    "tpu.region"() ({
      %run_scoped3A = tpu.sem_alloc : memref<!tpu.dma_semaphore, #tpu.memory_space<semaphore_mem>>
      %dma_start3A_97 = arith.constant 0 : i32
      %dma_start3A_98 = tpu.memref_slice %arg4[%add3A_65, %dma_start3A_97] : memref<32768x256xf32, #tpu.memory_space<hbm>> -> memref<128x256xf32, #tpu.memory_space<hbm>>
      %dma_start3A_99 = arith.constant 0 : i32
      %dma_start3A_100 = tpu.memref_slice %arg4[%add3A_65, %dma_start3A_99] : memref<32768x256xf32, #tpu.memory_space<hbm>> -> memref<128x256xf32, #tpu.memory_space<hbm>>
      tpu.enqueue_dma source(%arg6 : memref<128x256xf32, #tpu.memory_space<vmem>>) target(%dma_start3A_100 : memref<128x256xf32, #tpu.memory_space<hbm>>) target_semaphore(%run_scoped3A : memref<!tpu.dma_semaphore, #tpu.memory_space<semaphore_mem>>)
      %dma_wait3A_101 = arith.constant 0 : i32
      %dma_wait3A_102 = tpu.memref_slice %arg4[%add3A_65, %dma_wait3A_101] : memref<32768x256xf32, #tpu.memory_space<hbm>> -> memref<128x256xf32, #tpu.memory_space<hbm>>
      %dma_wait3A_103 = arith.constant 0 : i32
      %dma_wait3A_104 = tpu.memref_slice %arg4[%add3A_65, %dma_wait3A_103] : memref<32768x256xf32, #tpu.memory_space<hbm>> -> memref<128x256xf32, #tpu.memory_space<hbm>>
      tpu.wait_dma2 semaphore(%run_scoped3A : memref<!tpu.dma_semaphore, #tpu.memory_space<semaphore_mem>>) src(%arg6 : memref<128x256xf32, #tpu.memory_space<vmem>>) dst(%dma_wait3A_104 : memref<128x256xf32, #tpu.memory_space<hbm>>)
      tpu.yield
    }) : () -> ()
    %dma_start3A_66 = arith.constant 768 : i32
    %dma_start3A_67 = tpu.memref_slice %arg5[%dma_start3A_66] : memref<1024xi32, #tpu.memory_space<vmem>> -> memref<128xi32, #tpu.memory_space<vmem>>
    %dma_start3A_68 = arith.constant 0 : i32
    %dma_start3A_69 = arith.constant 0 : i32
    %dma_start3A_70 = tpu.memref_slice %arg2[%dma_start3A_68, %dma_start3A_69] : memref<256x256xf32, #tpu.memory_space<hbm>> -> memref<256x256xf32, #tpu.memory_space<hbm>>
    tpu.enqueue_indirect_dma source(%dma_start3A_70 : memref<256x256xf32, #tpu.memory_space<hbm>>) target(%arg6 : memref<128x256xf32, #tpu.memory_space<vmem>>) offsets(%dma_start3A_67 : memref<128xi32, #tpu.memory_space<vmem>>) semaphore(%arg8 : memref<!tpu.dma_semaphore, #tpu.memory_space<semaphore_mem>>)
    %dma_wait3A_71 = arith.constant 640 : i32
    %dma_wait3A_72 = tpu.memref_slice %arg5[%dma_wait3A_71] : memref<1024xi32, #tpu.memory_space<vmem>> -> memref<128xi32, #tpu.memory_space<vmem>>
    %dma_wait3A_73 = arith.constant 0 : i32
    %dma_wait3A_74 = arith.constant 0 : i32
    %dma_wait3A_75 = tpu.memref_slice %arg2[%dma_wait3A_73, %dma_wait3A_74] : memref<256x256xf32, #tpu.memory_space<hbm>> -> memref<256x256xf32, #tpu.memory_space<hbm>>
    tpu.wait_indirect_dma semaphore(%arg9 : memref<!tpu.dma_semaphore, #tpu.memory_space<semaphore_mem>>) src(%dma_wait3A_75 : memref<256x256xf32, #tpu.memory_space<hbm>>) dst(%arg7 : memref<128x256xf32, #tpu.memory_space<vmem>>)
    %add3A_76 = arith.constant 640 : i32
    %add3A_77 = arith.addi %mul3A_2, %add3A_76 : i32
    "tpu.region"() ({
      %run_scoped3A = tpu.sem_alloc : memref<!tpu.dma_semaphore, #tpu.memory_space<semaphore_mem>>
      %dma_start3A_97 = arith.constant 0 : i32
      %dma_start3A_98 = tpu.memref_slice %arg4[%add3A_77, %dma_start3A_97] : memref<32768x256xf32, #tpu.memory_space<hbm>> -> memref<128x256xf32, #tpu.memory_space<hbm>>
      %dma_start3A_99 = arith.constant 0 : i32
      %dma_start3A_100 = tpu.memref_slice %arg4[%add3A_77, %dma_start3A_99] : memref<32768x256xf32, #tpu.memory_space<hbm>> -> memref<128x256xf32, #tpu.memory_space<hbm>>
      tpu.enqueue_dma source(%arg7 : memref<128x256xf32, #tpu.memory_space<vmem>>) target(%dma_start3A_100 : memref<128x256xf32, #tpu.memory_space<hbm>>) target_semaphore(%run_scoped3A : memref<!tpu.dma_semaphore, #tpu.memory_space<semaphore_mem>>)
      %dma_wait3A_101 = arith.constant 0 : i32
      %dma_wait3A_102 = tpu.memref_slice %arg4[%add3A_77, %dma_wait3A_101] : memref<32768x256xf32, #tpu.memory_space<hbm>> -> memref<128x256xf32, #tpu.memory_space<hbm>>
      %dma_wait3A_103 = arith.constant 0 : i32
      %dma_wait3A_104 = tpu.memref_slice %arg4[%add3A_77, %dma_wait3A_103] : memref<32768x256xf32, #tpu.memory_space<hbm>> -> memref<128x256xf32, #tpu.memory_space<hbm>>
      tpu.wait_dma2 semaphore(%run_scoped3A : memref<!tpu.dma_semaphore, #tpu.memory_space<semaphore_mem>>) src(%arg7 : memref<128x256xf32, #tpu.memory_space<vmem>>) dst(%dma_wait3A_104 : memref<128x256xf32, #tpu.memory_space<hbm>>)
      tpu.yield
    }) : () -> ()
    %dma_start3A_78 = arith.constant 896 : i32
    %dma_start3A_79 = tpu.memref_slice %arg5[%dma_start3A_78] : memref<1024xi32, #tpu.memory_space<vmem>> -> memref<128xi32, #tpu.memory_space<vmem>>
    %dma_start3A_80 = arith.constant 0 : i32
    %dma_start3A_81 = arith.constant 0 : i32
    %dma_start3A_82 = tpu.memref_slice %arg2[%dma_start3A_80, %dma_start3A_81] : memref<256x256xf32, #tpu.memory_space<hbm>> -> memref<256x256xf32, #tpu.memory_space<hbm>>
    tpu.enqueue_indirect_dma source(%dma_start3A_82 : memref<256x256xf32, #tpu.memory_space<hbm>>) target(%arg7 : memref<128x256xf32, #tpu.memory_space<vmem>>) offsets(%dma_start3A_79 : memref<128xi32, #tpu.memory_space<vmem>>) semaphore(%arg9 : memref<!tpu.dma_semaphore, #tpu.memory_space<semaphore_mem>>)
    %dma_wait3A_83 = arith.constant 768 : i32
    %dma_wait3A_84 = tpu.memref_slice %arg5[%dma_wait3A_83] : memref<1024xi32, #tpu.memory_space<vmem>> -> memref<128xi32, #tpu.memory_space<vmem>>
    %dma_wait3A_85 = arith.constant 0 : i32
    %dma_wait3A_86 = arith.constant 0 : i32
    %dma_wait3A_87 = tpu.memref_slice %arg2[%dma_wait3A_85, %dma_wait3A_86] : memref<256x256xf32, #tpu.memory_space<hbm>> -> memref<256x256xf32, #tpu.memory_space<hbm>>
    tpu.wait_indirect_dma semaphore(%arg8 : memref<!tpu.dma_semaphore, #tpu.memory_space<semaphore_mem>>) src(%dma_wait3A_87 : memref<256x256xf32, #tpu.memory_space<hbm>>) dst(%arg6 : memref<128x256xf32, #tpu.memory_space<vmem>>)
    %add3A_88 = arith.constant 768 : i32
    %add3A_89 = arith.addi %mul3A_2, %add3A_88 : i32
    "tpu.region"() ({
      %run_scoped3A = tpu.sem_alloc : memref<!tpu.dma_semaphore, #tpu.memory_space<semaphore_mem>>
      %dma_start3A_97 = arith.constant 0 : i32
      %dma_start3A_98 = tpu.memref_slice %arg4[%add3A_89, %dma_start3A_97] : memref<32768x256xf32, #tpu.memory_space<hbm>> -> memref<128x256xf32, #tpu.memory_space<hbm>>
      %dma_start3A_99 = arith.constant 0 : i32
      %dma_start3A_100 = tpu.memref_slice %arg4[%add3A_89, %dma_start3A_99] : memref<32768x256xf32, #tpu.memory_space<hbm>> -> memref<128x256xf32, #tpu.memory_space<hbm>>
      tpu.enqueue_dma source(%arg6 : memref<128x256xf32, #tpu.memory_space<vmem>>) target(%dma_start3A_100 : memref<128x256xf32, #tpu.memory_space<hbm>>) target_semaphore(%run_scoped3A : memref<!tpu.dma_semaphore, #tpu.memory_space<semaphore_mem>>)
      %dma_wait3A_101 = arith.constant 0 : i32
      %dma_wait3A_102 = tpu.memref_slice %arg4[%add3A_89, %dma_wait3A_101] : memref<32768x256xf32, #tpu.memory_space<hbm>> -> memref<128x256xf32, #tpu.memory_space<hbm>>
      %dma_wait3A_103 = arith.constant 0 : i32
      %dma_wait3A_104 = tpu.memref_slice %arg4[%add3A_89, %dma_wait3A_103] : memref<32768x256xf32, #tpu.memory_space<hbm>> -> memref<128x256xf32, #tpu.memory_space<hbm>>
      tpu.wait_dma2 semaphore(%run_scoped3A : memref<!tpu.dma_semaphore, #tpu.memory_space<semaphore_mem>>) src(%arg6 : memref<128x256xf32, #tpu.memory_space<vmem>>) dst(%dma_wait3A_104 : memref<128x256xf32, #tpu.memory_space<hbm>>)
      tpu.yield
    }) : () -> ()
    %dma_wait3A_90 = arith.constant 896 : i32
    %dma_wait3A_91 = tpu.memref_slice %arg5[%dma_wait3A_90] : memref<1024xi32, #tpu.memory_space<vmem>> -> memref<128xi32, #tpu.memory_space<vmem>>
    %dma_wait3A_92 = arith.constant 0 : i32
    %dma_wait3A_93 = arith.constant 0 : i32
    %dma_wait3A_94 = tpu.memref_slice %arg2[%dma_wait3A_92, %dma_wait3A_93] : memref<256x256xf32, #tpu.memory_space<hbm>> -> memref<256x256xf32, #tpu.memory_space<hbm>>
    tpu.wait_indirect_dma semaphore(%arg9 : memref<!tpu.dma_semaphore, #tpu.memory_space<semaphore_mem>>) src(%dma_wait3A_94 : memref<256x256xf32, #tpu.memory_space<hbm>>) dst(%arg7 : memref<128x256xf32, #tpu.memory_space<vmem>>)
    %add3A_95 = arith.constant 896 : i32
    %add3A_96 = arith.addi %mul3A_2, %add3A_95 : i32
    "tpu.region"() ({
      %run_scoped3A = tpu.sem_alloc : memref<!tpu.dma_semaphore, #tpu.memory_space<semaphore_mem>>
      %dma_start3A_97 = arith.constant 0 : i32
      %dma_start3A_98 = tpu.memref_slice %arg4[%add3A_96, %dma_start3A_97] : memref<32768x256xf32, #tpu.memory_space<hbm>> -> memref<128x256xf32, #tpu.memory_space<hbm>>
      %dma_start3A_99 = arith.constant 0 : i32
      %dma_start3A_100 = tpu.memref_slice %arg4[%add3A_96, %dma_start3A_99] : memref<32768x256xf32, #tpu.memory_space<hbm>> -> memref<128x256xf32, #tpu.memory_space<hbm>>
      tpu.enqueue_dma source(%arg7 : memref<128x256xf32, #tpu.memory_space<vmem>>) target(%dma_start3A_100 : memref<128x256xf32, #tpu.memory_space<hbm>>) target_semaphore(%run_scoped3A : memref<!tpu.dma_semaphore, #tpu.memory_space<semaphore_mem>>)
      %dma_wait3A_101 = arith.constant 0 : i32
      %dma_wait3A_102 = tpu.memref_slice %arg4[%add3A_96, %dma_wait3A_101] : memref<32768x256xf32, #tpu.memory_space<hbm>> -> memref<128x256xf32, #tpu.memory_space<hbm>>
      %dma_wait3A_103 = arith.constant 0 : i32
      %dma_wait3A_104 = tpu.memref_slice %arg4[%add3A_96, %dma_wait3A_103] : memref<32768x256xf32, #tpu.memory_space<hbm>> -> memref<128x256xf32, #tpu.memory_space<hbm>>
      tpu.wait_dma2 semaphore(%run_scoped3A : memref<!tpu.dma_semaphore, #tpu.memory_space<semaphore_mem>>) src(%arg7 : memref<128x256xf32, #tpu.memory_space<vmem>>) dst(%dma_wait3A_104 : memref<128x256xf32, #tpu.memory_space<hbm>>)
      tpu.yield
    }) : () -> ()
    return
  }
}

module attributes {stable_mosaic.version = 14 : i64} {
  func.func @_stage1_body(%arg0: i32, %arg1: memref<1x512x1024xf32, #tpu.memory_space<vmem>>, %arg2: memref<1024x256xf32, #tpu.memory_space<vmem>>, %arg3: memref<1x256xf32, #tpu.memory_space<vmem>>, %arg4: memref<1x256xf32, #tpu.memory_space<vmem>>, %arg5: memref<1x256xf32, #tpu.memory_space<vmem>>, %arg6: memref<256x256xf32, #tpu.memory_space<vmem>>, %arg7: memref<1x256xf32, #tpu.memory_space<vmem>>, %arg8: memref<256x64xf32, #tpu.memory_space<vmem>>, %arg9: memref<1x64xf32, #tpu.memory_space<vmem>>, %arg10: memref<1x64xf32, #tpu.memory_space<vmem>>, %arg11: memref<1x64xf32, #tpu.memory_space<vmem>>, %arg12: memref<1x512x64xf32, #tpu.memory_space<vmem>>, %arg13: memref<1x1x1x1024xf32, #tpu.memory_space<vmem>>, %arg14: memref<1x1x1x1024xf32, #tpu.memory_space<vmem>>) attributes {dimension_semantics = [#tpu.dimension_semantics<arbitrary>], iteration_bounds = array<i64: 64>, scalar_prefetch = 0 : i64, scratch_operands = 0 : i64, tpu.core_type = #tpu.core_type<tc>, window_params = [{transform_indices = @transform_0, window_bounds = array<i64: 1, 512, 1024>}, {pipeline_mode = #tpu.pipeline_mode<synchronous>, transform_indices = @transform_1, window_bounds = array<i64: 1024, 256>}, {pipeline_mode = #tpu.pipeline_mode<synchronous>, transform_indices = @transform_2, window_bounds = array<i64: 1, 256>}, {pipeline_mode = #tpu.pipeline_mode<synchronous>, transform_indices = @transform_3, window_bounds = array<i64: 1, 256>}, {pipeline_mode = #tpu.pipeline_mode<synchronous>, transform_indices = @transform_4, window_bounds = array<i64: 1, 256>}, {pipeline_mode = #tpu.pipeline_mode<synchronous>, transform_indices = @transform_5, window_bounds = array<i64: 256, 256>}, {pipeline_mode = #tpu.pipeline_mode<synchronous>, transform_indices = @transform_6, window_bounds = array<i64: 1, 256>}, {pipeline_mode = #tpu.pipeline_mode<synchronous>, transform_indices = @transform_7, window_bounds = array<i64: 256, 64>}, {pipeline_mode = #tpu.pipeline_mode<synchronous>, transform_indices = @transform_8, window_bounds = array<i64: 1, 64>}, {pipeline_mode = #tpu.pipeline_mode<synchronous>, transform_indices = @transform_9, window_bounds = array<i64: 1, 64>}, {pipeline_mode = #tpu.pipeline_mode<synchronous>, transform_indices = @transform_10, window_bounds = array<i64: 1, 64>}, {transform_indices = @transform_11, window_bounds = array<i64: 1, 512, 64>}, {transform_indices = @transform_12, window_bounds = array<i64: 1, 1, 1, 1024>}, {transform_indices = @transform_13, window_bounds = array<i64: 1, 1, 1, 1024>}]} {
    %get3A = arith.constant 0 : index
    %get3A_0 = arith.constant 0 : index
    %get3A_1 = arith.constant 0 : index
    %get3A_2 = vector.load %arg1[%get3A, %get3A_0, %get3A_1] : memref<1x512x1024xf32, #tpu.memory_space<vmem>>, vector<1x512x1024xf32>
    %get3A_3 = vector.shape_cast %get3A_2 : vector<1x512x1024xf32> to vector<512x1024xf32>
    %reduce_sum3A = arith.constant dense<0.000000e+00> : vector<1024xf32>
    %reduce_sum3A_4 = vector.multi_reduction <add>, %get3A_3, %reduce_sum3A [0] : vector<512x1024xf32> to vector<1024xf32>
    %swap3A = arith.constant 0 : index
    %swap3A_5 = arith.constant 0 : index
    %swap3A_6 = arith.constant 0 : index
    %swap3A_7 = arith.constant 0 : index
    %swap3A_8 = vector.load %arg13[%swap3A, %swap3A_5, %swap3A_6, %swap3A_7] : memref<1x1x1x1024xf32, #tpu.memory_space<vmem>>, vector<1x1x1x1024xf32>
    %swap3A_9 = vector.shape_cast %swap3A_8 : vector<1x1x1x1024xf32> to vector<1024xf32>
    %swap3A_10 = vector.shape_cast %reduce_sum3A_4 : vector<1024xf32> to vector<1x1x1x1024xf32>
    tpu.vector_store %arg13[%swap3A, %swap3A_5, %swap3A_6, %swap3A_7], %swap3A_10 {strides = array<i32>} : memref<1x1x1x1024xf32, #tpu.memory_space<vmem>>, vector<1x1x1x1024xf32>,
    %mul3A = arith.mulf %get3A_3, %get3A_3 : vector<512x1024xf32>
    %reduce_sum3A_11 = arith.constant dense<0.000000e+00> : vector<1024xf32>
    %reduce_sum3A_12 = vector.multi_reduction <add>, %mul3A, %reduce_sum3A_11 [0] : vector<512x1024xf32> to vector<1024xf32>
    %swap3A_13 = arith.constant 0 : index
    %swap3A_14 = arith.constant 0 : index
    %swap3A_15 = arith.constant 0 : index
    %swap3A_16 = arith.constant 0 : index
    %swap3A_17 = vector.load %arg14[%swap3A_13, %swap3A_14, %swap3A_15, %swap3A_16] : memref<1x1x1x1024xf32, #tpu.memory_space<vmem>>, vector<1x1x1x1024xf32>
    %swap3A_18 = vector.shape_cast %swap3A_17 : vector<1x1x1x1024xf32> to vector<1024xf32>
    %swap3A_19 = vector.shape_cast %reduce_sum3A_12 : vector<1024xf32> to vector<1x1x1x1024xf32>
    tpu.vector_store %arg14[%swap3A_13, %swap3A_14, %swap3A_15, %swap3A_16], %swap3A_19 {strides = array<i32>} : memref<1x1x1x1024xf32, #tpu.memory_space<vmem>>, vector<1x1x1x1024xf32>,
    %get3A_20 = arith.constant 0 : index
    %get3A_21 = arith.constant 0 : index
    %get3A_22 = vector.load %arg2[%get3A_20, %get3A_21] : memref<1024x256xf32, #tpu.memory_space<vmem>>, vector<1024x256xf32>
    %dot_general3A = arith.constant dense<0.000000e+00> : vector<512x256xf32>
    %dot_general3A_23 = tpu.matmul %get3A_3, %get3A_22, %dot_general3A {dimension_numbers = #tpu.dot_dimension_numbers<[1], [0], [0], [1], [0, 0, 1, 1], [], []>, transpose_lhs_hint = false} : vector<512x1024xf32>, vector<1024x256xf32>, vector<512x256xf32> -> vector<512x256xf32>
    %get3A_24 = arith.constant 0 : index
    %get3A_25 = arith.constant 0 : index
    %get3A_26 = vector.load %arg3[%get3A_24, %get3A_25] : memref<1x256xf32, #tpu.memory_space<vmem>>, vector<1x256xf32>
    %add3A = vector.broadcast %get3A_26 : vector<1x256xf32> to vector<512x256xf32>
    %add3A_27 = arith.addf %dot_general3A_23, %add3A : vector<512x256xf32>
    %get3A_28 = arith.constant 0 : index
    %get3A_29 = arith.constant 0 : index
    %get3A_30 = vector.load %arg4[%get3A_28, %get3A_29] : memref<1x256xf32, #tpu.memory_space<vmem>>, vector<1x256xf32>
    %get3A_31 = arith.constant 0 : index
    %get3A_32 = arith.constant 0 : index
    %get3A_33 = vector.load %arg5[%get3A_31, %get3A_32] : memref<1x256xf32, #tpu.memory_space<vmem>>, vector<1x256xf32>
    %reduce_sum3A_34 = arith.constant dense<0.000000e+00> : vector<512xf32>
    %reduce_sum3A_35 = vector.multi_reduction <add>, %add3A_27, %reduce_sum3A_34 [1] : vector<512x256xf32> to vector<512xf32>
    %broadcast_in_dim3A = vector.shape_cast %reduce_sum3A_35 : vector<512xf32> to vector<512x1xf32>
    %div3A = arith.constant 2.560000e+02 : f32
    %div3A_36 = vector.broadcast %div3A : f32 to vector<512x1xf32>
    %div3A_37 = arith.divf %broadcast_in_dim3A, %div3A_36 : vector<512x1xf32>
    %sub3A = vector.broadcast %div3A_37 : vector<512x1xf32> to vector<512x256xf32>
    %sub3A_38 = arith.subf %add3A_27, %sub3A : vector<512x256xf32>
    %integer_pow3A = arith.mulf %sub3A_38, %sub3A_38 : vector<512x256xf32>
    %reduce_sum3A_39 = arith.constant dense<0.000000e+00> : vector<512xf32>
    %reduce_sum3A_40 = vector.multi_reduction <add>, %integer_pow3A, %reduce_sum3A_39 [1] : vector<512x256xf32> to vector<512xf32>
    %broadcast_in_dim3A_41 = vector.shape_cast %reduce_sum3A_40 : vector<512xf32> to vector<512x1xf32>
    %div3A_42 = arith.constant 2.560000e+02 : f32
    %div3A_43 = vector.broadcast %div3A_42 : f32 to vector<512x1xf32>
    %div3A_44 = arith.divf %broadcast_in_dim3A_41, %div3A_43 : vector<512x1xf32>
    %sub3A_45 = vector.broadcast %div3A_37 : vector<512x1xf32> to vector<512x256xf32>
    %sub3A_46 = arith.subf %add3A_27, %sub3A_45 : vector<512x256xf32>
    %add3A_47 = arith.constant 9.99999974E-6 : f32
    %add3A_48 = vector.broadcast %add3A_47 : f32 to vector<512x1xf32>
    %add3A_49 = arith.addf %div3A_44, %add3A_48 : vector<512x1xf32>
    %sqrt3A = math.sqrt %add3A_49 : vector<512x1xf32>
    %div3A_50 = vector.broadcast %sqrt3A : vector<512x1xf32> to vector<512x256xf32>
    %div3A_51 = arith.divf %sub3A_46, %div3A_50 : vector<512x256xf32>
    %mul3A_52 = vector.broadcast %get3A_30 : vector<1x256xf32> to vector<512x256xf32>
    %mul3A_53 = arith.mulf %div3A_51, %mul3A_52 : vector<512x256xf32>
    %add3A_54 = vector.broadcast %get3A_33 : vector<1x256xf32> to vector<512x256xf32>
    %add3A_55 = arith.addf %mul3A_53, %add3A_54 : vector<512x256xf32>
    %max3A = arith.constant 0.000000e+00 : f32
    %max3A_56 = vector.broadcast %max3A : f32 to vector<512x256xf32>
    %max3A_57 = arith.maximumf %add3A_55, %max3A_56 : vector<512x256xf32>
    %get3A_58 = arith.constant 0 : index
    %get3A_59 = arith.constant 0 : index
    %get3A_60 = vector.load %arg6[%get3A_58, %get3A_59] : memref<256x256xf32, #tpu.memory_space<vmem>>, vector<256x256xf32>
    %dot_general3A_61 = arith.constant dense<0.000000e+00> : vector<512x256xf32>
    %dot_general3A_62 = tpu.matmul %max3A_57, %get3A_60, %dot_general3A_61 {dimension_numbers = #tpu.dot_dimension_numbers<[1], [0], [0], [1], [0, 0, 1, 1], [], []>, transpose_lhs_hint = false} : vector<512x256xf32>, vector<256x256xf32>, vector<512x256xf32> -> vector<512x256xf32>
    %get3A_63 = arith.constant 0 : index
    %get3A_64 = arith.constant 0 : index
    %get3A_65 = vector.load %arg7[%get3A_63, %get3A_64] : memref<1x256xf32, #tpu.memory_space<vmem>>, vector<1x256xf32>
    %add3A_66 = vector.broadcast %get3A_65 : vector<1x256xf32> to vector<512x256xf32>
    %add3A_67 = arith.addf %dot_general3A_62, %add3A_66 : vector<512x256xf32>
    %get3A_68 = arith.constant 0 : index
    %get3A_69 = arith.constant 0 : index
    %get3A_70 = vector.load %arg8[%get3A_68, %get3A_69] : memref<256x64xf32, #tpu.memory_space<vmem>>, vector<256x64xf32>
    %dot_general3A_71 = arith.constant dense<0.000000e+00> : vector<512x64xf32>
    %dot_general3A_72 = tpu.matmul %add3A_67, %get3A_70, %dot_general3A_71 {dimension_numbers = #tpu.dot_dimension_numbers<[1], [0], [0], [1], [0, 0, 1, 1], [], []>, transpose_lhs_hint = false} : vector<512x256xf32>, vector<256x64xf32>, vector<512x64xf32> -> vector<512x64xf32>
    %get3A_73 = arith.constant 0 : index
    %get3A_74 = arith.constant 0 : index
    %get3A_75 = vector.load %arg9[%get3A_73, %get3A_74] : memref<1x64xf32, #tpu.memory_space<vmem>>, vector<1x64xf32>
    %add3A_76 = vector.broadcast %get3A_75 : vector<1x64xf32> to vector<512x64xf32>
    %add3A_77 = arith.addf %dot_general3A_72, %add3A_76 : vector<512x64xf32>
    %get3A_78 = arith.constant 0 : index
    %get3A_79 = arith.constant 0 : index
    %get3A_80 = vector.load %arg10[%get3A_78, %get3A_79] : memref<1x64xf32, #tpu.memory_space<vmem>>, vector<1x64xf32>
    %get3A_81 = arith.constant 0 : index
    %get3A_82 = arith.constant 0 : index
    %get3A_83 = vector.load %arg11[%get3A_81, %get3A_82] : memref<1x64xf32, #tpu.memory_space<vmem>>, vector<1x64xf32>
    %reduce_sum3A_84 = arith.constant dense<0.000000e+00> : vector<512xf32>
    %reduce_sum3A_85 = vector.multi_reduction <add>, %add3A_77, %reduce_sum3A_84 [1] : vector<512x64xf32> to vector<512xf32>
    %broadcast_in_dim3A_86 = vector.shape_cast %reduce_sum3A_85 : vector<512xf32> to vector<512x1xf32>
    %div3A_87 = arith.constant 6.400000e+01 : f32
    %div3A_88 = vector.broadcast %div3A_87 : f32 to vector<512x1xf32>
    %div3A_89 = arith.divf %broadcast_in_dim3A_86, %div3A_88 : vector<512x1xf32>
    %sub3A_90 = vector.broadcast %div3A_89 : vector<512x1xf32> to vector<512x64xf32>
    %sub3A_91 = arith.subf %add3A_77, %sub3A_90 : vector<512x64xf32>
    %integer_pow3A_92 = arith.mulf %sub3A_91, %sub3A_91 : vector<512x64xf32>
    %reduce_sum3A_93 = arith.constant dense<0.000000e+00> : vector<512xf32>
    %reduce_sum3A_94 = vector.multi_reduction <add>, %integer_pow3A_92, %reduce_sum3A_93 [1] : vector<512x64xf32> to vector<512xf32>
    %broadcast_in_dim3A_95 = vector.shape_cast %reduce_sum3A_94 : vector<512xf32> to vector<512x1xf32>
    %div3A_96 = arith.constant 6.400000e+01 : f32
    %div3A_97 = vector.broadcast %div3A_96 : f32 to vector<512x1xf32>
    %div3A_98 = arith.divf %broadcast_in_dim3A_95, %div3A_97 : vector<512x1xf32>
    %sub3A_99 = vector.broadcast %div3A_89 : vector<512x1xf32> to vector<512x64xf32>
    %sub3A_100 = arith.subf %add3A_77, %sub3A_99 : vector<512x64xf32>
    %add3A_101 = arith.constant 9.99999974E-6 : f32
    %add3A_102 = vector.broadcast %add3A_101 : f32 to vector<512x1xf32>
    %add3A_103 = arith.addf %div3A_98, %add3A_102 : vector<512x1xf32>
    %sqrt3A_104 = math.sqrt %add3A_103 : vector<512x1xf32>
    %div3A_105 = vector.broadcast %sqrt3A_104 : vector<512x1xf32> to vector<512x64xf32>
    %div3A_106 = arith.divf %sub3A_100, %div3A_105 : vector<512x64xf32>
    %mul3A_107 = vector.broadcast %get3A_80 : vector<1x64xf32> to vector<512x64xf32>
    %mul3A_108 = arith.mulf %div3A_106, %mul3A_107 : vector<512x64xf32>
    %add3A_109 = vector.broadcast %get3A_83 : vector<1x64xf32> to vector<512x64xf32>
    %add3A_110 = arith.addf %mul3A_108, %add3A_109 : vector<512x64xf32>
    %mul3A_111 = arith.mulf %add3A_110, %add3A_110 : vector<512x64xf32>
    %reduce_sum3A_112 = arith.constant dense<0.000000e+00> : vector<512xf32>
    %reduce_sum3A_113 = vector.multi_reduction <add>, %mul3A_111, %reduce_sum3A_112 [1] : vector<512x64xf32> to vector<512xf32>
    %broadcast_in_dim3A_114 = vector.shape_cast %reduce_sum3A_113 : vector<512xf32> to vector<512x1xf32>
    %sqrt3A_115 = math.sqrt %broadcast_in_dim3A_114 : vector<512x1xf32>
    %max3A_116 = arith.constant 9.99999996E-13 : f32
    %max3A_117 = vector.broadcast %max3A_116 : f32 to vector<512x1xf32>
    %max3A_118 = arith.maximumf %sqrt3A_115, %max3A_117 : vector<512x1xf32>
    %div3A_119 = vector.broadcast %max3A_118 : vector<512x1xf32> to vector<512x64xf32>
    %div3A_120 = arith.divf %add3A_110, %div3A_119 : vector<512x64xf32>
    %swap3A_121 = arith.constant 0 : index
    %swap3A_122 = arith.constant 0 : index
    %swap3A_123 = arith.constant 0 : index
    %swap3A_124 = vector.load %arg12[%swap3A_121, %swap3A_122, %swap3A_123] : memref<1x512x64xf32, #tpu.memory_space<vmem>>, vector<1x512x64xf32>
    %swap3A_125 = vector.shape_cast %swap3A_124 : vector<1x512x64xf32> to vector<512x64xf32>
    %swap3A_126 = vector.shape_cast %div3A_120 : vector<512x64xf32> to vector<1x512x64xf32>
    tpu.vector_store %arg12[%swap3A_121, %swap3A_122, %swap3A_123], %swap3A_126 {strides = array<i32>} : memref<1x512x64xf32, #tpu.memory_space<vmem>>, vector<1x512x64xf32>,
    return
  }
  func.func @transform_0(%arg0: i32) -> (i32, i32, i32) {
    %jit3A = arith.constant 2 : i32
    %div3A = arith.divsi %arg0, %jit3A : i32
    %sign3A = arith.constant 0 : i32
    %sign3A_0 = arith.cmpi sgt, %arg0, %sign3A : i32
    %sign3A_1 = arith.extui %sign3A_0 : i1 to i32
    %sign3A_2 = arith.constant 0 : i32
    %sign3A_3 = arith.cmpi slt, %arg0, %sign3A_2 : i32
    %sign3A_4 = arith.extui %sign3A_3 : i1 to i32
    %sign3A_5 = arith.subi %sign3A_1, %sign3A_4 : i32
    %sign3A_6 = arith.constant 0 : i32
    %sign3A_7 = arith.cmpi sgt, %jit3A, %sign3A_6 : i32
    %sign3A_8 = arith.extui %sign3A_7 : i1 to i32
    %sign3A_9 = arith.constant 0 : i32
    %sign3A_10 = arith.cmpi slt, %jit3A, %sign3A_9 : i32
    %sign3A_11 = arith.extui %sign3A_10 : i1 to i32
    %sign3A_12 = arith.subi %sign3A_8, %sign3A_11 : i32
    %ne3A = arith.cmpi ne, %sign3A_5, %sign3A_12 : i32
    %rem3A = arith.remsi %arg0, %jit3A : i32
    %ne3A_13 = arith.constant 0 : i32
    %ne3A_14 = arith.cmpi ne, %rem3A, %ne3A_13 : i32
    %and3A = arith.andi %ne3A, %ne3A_14 : i1
    %sub3A = arith.constant 1 : i32
    %sub3A_15 = arith.subi %div3A, %sub3A : i32
    %select_n3A = arith.select %and3A, %sub3A_15, %div3A : i32
    %jit3A_16 = arith.constant 2 : i32
    %eq3A = arith.constant 0 : i32
    %eq3A_17 = arith.cmpi eq, %jit3A_16, %eq3A : i32
    %jit3A_18 = arith.constant 1 : i32
    %select_n3A_19 = arith.select %eq3A_17, %jit3A_18, %jit3A_16 : i32
    %rem3A_20 = arith.remsi %arg0, %select_n3A_19 : i32
    %ne3A_21 = arith.constant 0 : i32
    %ne3A_22 = arith.cmpi ne, %rem3A_20, %ne3A_21 : i32
    %lt3A = arith.constant 0 : i32
    %lt3A_23 = arith.cmpi slt, %rem3A_20, %lt3A : i32
    %lt3A_24 = arith.constant 0 : i32
    %lt3A_25 = arith.cmpi slt, %select_n3A_19, %lt3A_24 : i32
    %ne3A_26 = arith.xori %lt3A_23, %lt3A_25 : i1
    %and3A_27 = arith.andi %ne3A_26, %ne3A_22 : i1
    %add3A = arith.addi %rem3A_20, %select_n3A_19 : i32
    %select_n3A_28 = arith.select %and3A_27, %add3A, %rem3A_20 : i32
    %c0_i32 = arith.constant 0 : i32
    %c0_i32_29 = arith.constant 0 : i32
    return %select_n3A, %select_n3A_28, %c0_i32 : i32, i32, i32
  }
  func.func @transform_1(%arg0: i32) -> (i32, i32) {
    %c0_i32 = arith.constant 0 : i32
    %c0_i32_0 = arith.constant 0 : i32
    %c0_i32_1 = arith.constant 0 : i32
    return %c0_i32, %c0_i32_0 : i32, i32
  }
  func.func @transform_2(%arg0: i32) -> (i32, i32) {
    %c0_i32 = arith.constant 0 : i32
    %c0_i32_0 = arith.constant 0 : i32
    %c0_i32_1 = arith.constant 0 : i32
    return %c0_i32, %c0_i32_0 : i32, i32
  }
  func.func @transform_3(%arg0: i32) -> (i32, i32) {
    %c0_i32 = arith.constant 0 : i32
    %c0_i32_0 = arith.constant 0 : i32
    %c0_i32_1 = arith.constant 0 : i32
    return %c0_i32, %c0_i32_0 : i32, i32
  }
  func.func @transform_4(%arg0: i32) -> (i32, i32) {
    %c0_i32 = arith.constant 0 : i32
    %c0_i32_0 = arith.constant 0 : i32
    %c0_i32_1 = arith.constant 0 : i32
    return %c0_i32, %c0_i32_0 : i32, i32
  }
  func.func @transform_5(%arg0: i32) -> (i32, i32) {
    %c0_i32 = arith.constant 0 : i32
    %c0_i32_0 = arith.constant 0 : i32
    %c0_i32_1 = arith.constant 0 : i32
    return %c0_i32, %c0_i32_0 : i32, i32
  }
  func.func @transform_6(%arg0: i32) -> (i32, i32) {
    %c0_i32 = arith.constant 0 : i32
    %c0_i32_0 = arith.constant 0 : i32
    %c0_i32_1 = arith.constant 0 : i32
    return %c0_i32, %c0_i32_0 : i32, i32
  }
  func.func @transform_7(%arg0: i32) -> (i32, i32) {
    %c0_i32 = arith.constant 0 : i32
    %c0_i32_0 = arith.constant 0 : i32
    %c0_i32_1 = arith.constant 0 : i32
    return %c0_i32, %c0_i32_0 : i32, i32
  }
  func.func @transform_8(%arg0: i32) -> (i32, i32) {
    %c0_i32 = arith.constant 0 : i32
    %c0_i32_0 = arith.constant 0 : i32
    %c0_i32_1 = arith.constant 0 : i32
    return %c0_i32, %c0_i32_0 : i32, i32
  }
  func.func @transform_9(%arg0: i32) -> (i32, i32) {
    %c0_i32 = arith.constant 0 : i32
    %c0_i32_0 = arith.constant 0 : i32
    %c0_i32_1 = arith.constant 0 : i32
    return %c0_i32, %c0_i32_0 : i32, i32
  }
  func.func @transform_10(%arg0: i32) -> (i32, i32) {
    %c0_i32 = arith.constant 0 : i32
    %c0_i32_0 = arith.constant 0 : i32
    %c0_i32_1 = arith.constant 0 : i32
    return %c0_i32, %c0_i32_0 : i32, i32
  }
  func.func @transform_11(%arg0: i32) -> (i32, i32, i32) {
    %jit3A = arith.constant 2 : i32
    %div3A = arith.divsi %arg0, %jit3A : i32
    %sign3A = arith.constant 0 : i32
    %sign3A_0 = arith.cmpi sgt, %arg0, %sign3A : i32
    %sign3A_1 = arith.extui %sign3A_0 : i1 to i32
    %sign3A_2 = arith.constant 0 : i32
    %sign3A_3 = arith.cmpi slt, %arg0, %sign3A_2 : i32
    %sign3A_4 = arith.extui %sign3A_3 : i1 to i32
    %sign3A_5 = arith.subi %sign3A_1, %sign3A_4 : i32
    %sign3A_6 = arith.constant 0 : i32
    %sign3A_7 = arith.cmpi sgt, %jit3A, %sign3A_6 : i32
    %sign3A_8 = arith.extui %sign3A_7 : i1 to i32
    %sign3A_9 = arith.constant 0 : i32
    %sign3A_10 = arith.cmpi slt, %jit3A, %sign3A_9 : i32
    %sign3A_11 = arith.extui %sign3A_10 : i1 to i32
    %sign3A_12 = arith.subi %sign3A_8, %sign3A_11 : i32
    %ne3A = arith.cmpi ne, %sign3A_5, %sign3A_12 : i32
    %rem3A = arith.remsi %arg0, %jit3A : i32
    %ne3A_13 = arith.constant 0 : i32
    %ne3A_14 = arith.cmpi ne, %rem3A, %ne3A_13 : i32
    %and3A = arith.andi %ne3A, %ne3A_14 : i1
    %sub3A = arith.constant 1 : i32
    %sub3A_15 = arith.subi %div3A, %sub3A : i32
    %select_n3A = arith.select %and3A, %sub3A_15, %div3A : i32
    %jit3A_16 = arith.constant 2 : i32
    %eq3A = arith.constant 0 : i32
    %eq3A_17 = arith.cmpi eq, %jit3A_16, %eq3A : i32
    %jit3A_18 = arith.constant 1 : i32
    %select_n3A_19 = arith.select %eq3A_17, %jit3A_18, %jit3A_16 : i32
    %rem3A_20 = arith.remsi %arg0, %select_n3A_19 : i32
    %ne3A_21 = arith.constant 0 : i32
    %ne3A_22 = arith.cmpi ne, %rem3A_20, %ne3A_21 : i32
    %lt3A = arith.constant 0 : i32
    %lt3A_23 = arith.cmpi slt, %rem3A_20, %lt3A : i32
    %lt3A_24 = arith.constant 0 : i32
    %lt3A_25 = arith.cmpi slt, %select_n3A_19, %lt3A_24 : i32
    %ne3A_26 = arith.xori %lt3A_23, %lt3A_25 : i1
    %and3A_27 = arith.andi %ne3A_26, %ne3A_22 : i1
    %add3A = arith.addi %rem3A_20, %select_n3A_19 : i32
    %select_n3A_28 = arith.select %and3A_27, %add3A, %rem3A_20 : i32
    %c0_i32 = arith.constant 0 : i32
    %c0_i32_29 = arith.constant 0 : i32
    return %select_n3A, %select_n3A_28, %c0_i32 : i32, i32, i32
  }
  func.func @transform_12(%arg0: i32) -> (i32, i32, i32, i32) {
    %jit3A = arith.constant 2 : i32
    %div3A = arith.divsi %arg0, %jit3A : i32
    %sign3A = arith.constant 0 : i32
    %sign3A_0 = arith.cmpi sgt, %arg0, %sign3A : i32
    %sign3A_1 = arith.extui %sign3A_0 : i1 to i32
    %sign3A_2 = arith.constant 0 : i32
    %sign3A_3 = arith.cmpi slt, %arg0, %sign3A_2 : i32
    %sign3A_4 = arith.extui %sign3A_3 : i1 to i32
    %sign3A_5 = arith.subi %sign3A_1, %sign3A_4 : i32
    %sign3A_6 = arith.constant 0 : i32
    %sign3A_7 = arith.cmpi sgt, %jit3A, %sign3A_6 : i32
    %sign3A_8 = arith.extui %sign3A_7 : i1 to i32
    %sign3A_9 = arith.constant 0 : i32
    %sign3A_10 = arith.cmpi slt, %jit3A, %sign3A_9 : i32
    %sign3A_11 = arith.extui %sign3A_10 : i1 to i32
    %sign3A_12 = arith.subi %sign3A_8, %sign3A_11 : i32
    %ne3A = arith.cmpi ne, %sign3A_5, %sign3A_12 : i32
    %rem3A = arith.remsi %arg0, %jit3A : i32
    %ne3A_13 = arith.constant 0 : i32
    %ne3A_14 = arith.cmpi ne, %rem3A, %ne3A_13 : i32
    %and3A = arith.andi %ne3A, %ne3A_14 : i1
    %sub3A = arith.constant 1 : i32
    %sub3A_15 = arith.subi %div3A, %sub3A : i32
    %select_n3A = arith.select %and3A, %sub3A_15, %div3A : i32
    %jit3A_16 = arith.constant 2 : i32
    %eq3A = arith.constant 0 : i32
    %eq3A_17 = arith.cmpi eq, %jit3A_16, %eq3A : i32
    %jit3A_18 = arith.constant 1 : i32
    %select_n3A_19 = arith.select %eq3A_17, %jit3A_18, %jit3A_16 : i32
    %rem3A_20 = arith.remsi %arg0, %select_n3A_19 : i32
    %ne3A_21 = arith.constant 0 : i32
    %ne3A_22 = arith.cmpi ne, %rem3A_20, %ne3A_21 : i32
    %lt3A = arith.constant 0 : i32
    %lt3A_23 = arith.cmpi slt, %rem3A_20, %lt3A : i32
    %lt3A_24 = arith.constant 0 : i32
    %lt3A_25 = arith.cmpi slt, %select_n3A_19, %lt3A_24 : i32
    %ne3A_26 = arith.xori %lt3A_23, %lt3A_25 : i1
    %and3A_27 = arith.andi %ne3A_26, %ne3A_22 : i1
    %add3A = arith.addi %rem3A_20, %select_n3A_19 : i32
    %select_n3A_28 = arith.select %and3A_27, %add3A, %rem3A_20 : i32
    %c0_i32 = arith.constant 0 : i32
    %c0_i32_29 = arith.constant 0 : i32
    %c0_i32_30 = arith.constant 0 : i32
    return %select_n3A, %select_n3A_28, %c0_i32, %c0_i32_29 : i32, i32, i32, i32
  }
  func.func @transform_13(%arg0: i32) -> (i32, i32, i32, i32) {
    %jit3A = arith.constant 2 : i32
    %div3A = arith.divsi %arg0, %jit3A : i32
    %sign3A = arith.constant 0 : i32
    %sign3A_0 = arith.cmpi sgt, %arg0, %sign3A : i32
    %sign3A_1 = arith.extui %sign3A_0 : i1 to i32
    %sign3A_2 = arith.constant 0 : i32
    %sign3A_3 = arith.cmpi slt, %arg0, %sign3A_2 : i32
    %sign3A_4 = arith.extui %sign3A_3 : i1 to i32
    %sign3A_5 = arith.subi %sign3A_1, %sign3A_4 : i32
    %sign3A_6 = arith.constant 0 : i32
    %sign3A_7 = arith.cmpi sgt, %jit3A, %sign3A_6 : i32
    %sign3A_8 = arith.extui %sign3A_7 : i1 to i32
    %sign3A_9 = arith.constant 0 : i32
    %sign3A_10 = arith.cmpi slt, %jit3A, %sign3A_9 : i32
    %sign3A_11 = arith.extui %sign3A_10 : i1 to i32
    %sign3A_12 = arith.subi %sign3A_8, %sign3A_11 : i32
    %ne3A = arith.cmpi ne, %sign3A_5, %sign3A_12 : i32
    %rem3A = arith.remsi %arg0, %jit3A : i32
    %ne3A_13 = arith.constant 0 : i32
    %ne3A_14 = arith.cmpi ne, %rem3A, %ne3A_13 : i32
    %and3A = arith.andi %ne3A, %ne3A_14 : i1
    %sub3A = arith.constant 1 : i32
    %sub3A_15 = arith.subi %div3A, %sub3A : i32
    %select_n3A = arith.select %and3A, %sub3A_15, %div3A : i32
    %jit3A_16 = arith.constant 2 : i32
    %eq3A = arith.constant 0 : i32
    %eq3A_17 = arith.cmpi eq, %jit3A_16, %eq3A : i32
    %jit3A_18 = arith.constant 1 : i32
    %select_n3A_19 = arith.select %eq3A_17, %jit3A_18, %jit3A_16 : i32
    %rem3A_20 = arith.remsi %arg0, %select_n3A_19 : i32
    %ne3A_21 = arith.constant 0 : i32
    %ne3A_22 = arith.cmpi ne, %rem3A_20, %ne3A_21 : i32
    %lt3A = arith.constant 0 : i32
    %lt3A_23 = arith.cmpi slt, %rem3A_20, %lt3A : i32
    %lt3A_24 = arith.constant 0 : i32
    %lt3A_25 = arith.cmpi slt, %select_n3A_19, %lt3A_24 : i32
    %ne3A_26 = arith.xori %lt3A_23, %lt3A_25 : i1
    %and3A_27 = arith.andi %ne3A_26, %ne3A_22 : i1
    %add3A = arith.addi %rem3A_20, %select_n3A_19 : i32
    %select_n3A_28 = arith.select %and3A_27, %add3A, %rem3A_20 : i32
    %c0_i32 = arith.constant 0 : i32
    %c0_i32_29 = arith.constant 0 : i32
    %c0_i32_30 = arith.constant 0 : i32
    return %select_n3A, %select_n3A_28, %c0_i32, %c0_i32_29 : i32, i32, i32, i32
  }
}

module attributes {stable_mosaic.version = 14 : i64} {
  func.func @_stage3_body(%arg0: i32, %arg1: memref<32xi32, #tpu.memory_space<smem>>, %arg2: memref<1x1024x64xf32, #tpu.memory_space<vmem>>, %arg3: memref<1x32x64xf32, #tpu.memory_space<vmem>>, %arg4: memref<1x1x1024xi32, #tpu.memory_space<vmem>>) attributes {dimension_semantics = [#tpu.dimension_semantics<arbitrary>], iteration_bounds = array<i64: 32>, scalar_prefetch = 1 : i64, scratch_operands = 0 : i64, tpu.core_type = #tpu.core_type<tc>, window_params = [{transform_indices = @transform_0, window_bounds = array<i64: 1, 1024, 64>}, {transform_indices = @transform_1, window_bounds = array<i64: 1, 32, 64>}, {transform_indices = @transform_2, window_bounds = array<i64: 1, 1, 1024>}]} {
    %get3A = arith.constant 0 : index
    %get3A_0 = arith.constant 0 : index
    %get3A_1 = arith.constant 0 : index
    %get3A_2 = vector.load %arg2[%get3A, %get3A_0, %get3A_1] : memref<1x1024x64xf32, #tpu.memory_space<vmem>>, vector<1x1024x64xf32>
    %get3A_3 = vector.shape_cast %get3A_2 : vector<1x1024x64xf32> to vector<1024x64xf32>
    %get3A_4 = arith.constant 0 : index
    %get3A_5 = arith.constant 0 : index
    %get3A_6 = arith.constant 0 : index
    %get3A_7 = vector.load %arg3[%get3A_4, %get3A_5, %get3A_6] : memref<1x32x64xf32, #tpu.memory_space<vmem>>, vector<1x32x64xf32>
    %get3A_8 = vector.shape_cast %get3A_7 : vector<1x32x64xf32> to vector<32x64xf32>
    %dot_general3A = arith.constant dense<0.000000e+00> : vector<1024x32xf32>
    %dot_general3A_9 = tpu.matmul %get3A_3, %get3A_8, %dot_general3A {dimension_numbers = #tpu.dot_dimension_numbers<[1], [1], [0], [0], [0, 0, 1, 0], [], []>, transpose_lhs_hint = false} : vector<1024x64xf32>, vector<32x64xf32>, vector<1024x32xf32> -> vector<1024x32xf32>
    %argmax3A = tpu.reduce_index %dot_general3A_9 {axis = 1 : i32, kind = #tpu.reduction_kind<arg_max>} : vector<1024x32xf32> -> vector<1024xi32>
    %get3A_10 = arith.index_cast %arg0 : i32 to index
    %get3A_11 = memref.load %arg1[%get3A_10] : memref<32xi32, #tpu.memory_space<smem>>
    %mul3A = arith.constant 32 : i32
    %mul3A_12 = arith.muli %get3A_11, %mul3A : i32
    %add3A = vector.broadcast %mul3A_12 : i32 to vector<1024xi32>
    %add3A_13 = arith.addi %add3A, %argmax3A : vector<1024xi32>
    %swap3A = arith.constant 0 : index
    %swap3A_14 = arith.constant 0 : index
    %swap3A_15 = arith.constant 0 : index
    %swap3A_16 = vector.load %arg4[%swap3A, %swap3A_14, %swap3A_15] : memref<1x1x1024xi32, #tpu.memory_space<vmem>>, vector<1x1x1024xi32>
    %swap3A_17 = vector.shape_cast %swap3A_16 : vector<1x1x1024xi32> to vector<1024xi32>
    %swap3A_18 = vector.shape_cast %add3A_13 : vector<1024xi32> to vector<1x1x1024xi32>
    tpu.vector_store %arg4[%swap3A, %swap3A_14, %swap3A_15], %swap3A_18 {strides = array<i32>} : memref<1x1x1024xi32, #tpu.memory_space<vmem>>, vector<1x1x1024xi32>,
    return
  }
  func.func @transform_0(%arg0: i32, %arg1: memref<32xi32, #tpu.memory_space<smem>>) -> (i32, i32, i32) {
    %c0_i32 = arith.constant 0 : i32
    %c0_i32_0 = arith.constant 0 : i32
    %c0_i32_1 = arith.constant 0 : i32
    return %arg0, %c0_i32, %c0_i32_0 : i32, i32, i32
  }
  func.func @transform_1(%arg0: i32, %arg1: memref<32xi32, #tpu.memory_space<smem>>) -> (i32, i32, i32) {
    %get3A = arith.index_cast %arg0 : i32 to index
    %get3A_0 = memref.load %arg1[%get3A] : memref<32xi32, #tpu.memory_space<smem>>
    %c0_i32 = arith.constant 0 : i32
    %c0_i32_1 = arith.constant 0 : i32
    %c0_i32_2 = arith.constant 0 : i32
    return %get3A_0, %c0_i32, %c0_i32_1 : i32, i32, i32
  }
  func.func @transform_2(%arg0: i32, %arg1: memref<32xi32, #tpu.memory_space<smem>>) -> (i32, i32, i32) {
    %c0_i32 = arith.constant 0 : i32
    %c0_i32_0 = arith.constant 0 : i32
    %c0_i32_1 = arith.constant 0 : i32
    return %arg0, %c0_i32, %c0_i32_0 : i32, i32, i32
  }
}

module attributes {stable_mosaic.version = 14 : i64} {
  func.func @_stage2_body(%arg0: memref<32x2x1x1024xf32, #tpu.memory_space<vmem>>, %arg1: memref<32x2x1x1024xf32, #tpu.memory_space<vmem>>, %arg2: memref<1024x256xf32, #tpu.memory_space<vmem>>, %arg3: memref<1x256xf32, #tpu.memory_space<vmem>>, %arg4: memref<1x256xf32, #tpu.memory_space<vmem>>, %arg5: memref<1x256xf32, #tpu.memory_space<vmem>>, %arg6: memref<256x128xf32, #tpu.memory_space<vmem>>, %arg7: memref<1x128xf32, #tpu.memory_space<vmem>>, %arg8: memref<128x128xf32, #tpu.memory_space<vmem>>, %arg9: memref<1x128xf32, #tpu.memory_space<vmem>>, %arg10: memref<1x128xf32, #tpu.memory_space<vmem>>, %arg11: memref<1x128xf32, #tpu.memory_space<vmem>>, %arg12: memref<8x128xf32, #tpu.memory_space<vmem>>, %arg13: memref<256x64xf32, #tpu.memory_space<vmem>>, %arg14: memref<64x256xf32, #tpu.memory_space<vmem>>, %arg15: memref<1x256xf32, #tpu.memory_space<vmem>>, %arg16: memref<1x256xf32, #tpu.memory_space<vmem>>, %arg17: memref<1x256xf32, #tpu.memory_space<vmem>>, %arg18: memref<1x32xi32, #tpu.memory_space<vmem>>, %arg19: memref<8x32x64xf32, #tpu.memory_space<vmem>>, %arg20: memref<256x256xf32, #tpu.memory_space<vmem>>) attributes {dimension_semantics = [], scalar_prefetch = 0 : i64, scratch_operands = 0 : i64, tpu.core_type = #tpu.core_type<tc>} {
    %get3A = arith.constant 0 : index
    %get3A_0 = arith.constant 0 : index
    %get3A_1 = arith.constant 0 : index
    %get3A_2 = arith.constant 0 : index
    %get3A_3 = vector.load %arg0[%get3A, %get3A_0, %get3A_1, %get3A_2] : memref<32x2x1x1024xf32, #tpu.memory_space<vmem>>, vector<32x1x1x1024xf32>
    %get3A_4 = vector.shape_cast %get3A_3 : vector<32x1x1x1024xf32> to vector<32x1024xf32>
    %get3A_5 = arith.constant 0 : index
    %get3A_6 = arith.constant 1 : index
    %get3A_7 = arith.constant 0 : index
    %get3A_8 = arith.constant 0 : index
    %get3A_9 = vector.load %arg0[%get3A_5, %get3A_6, %get3A_7, %get3A_8] : memref<32x2x1x1024xf32, #tpu.memory_space<vmem>>, vector<32x1x1x1024xf32>
    %get3A_10 = vector.shape_cast %get3A_9 : vector<32x1x1x1024xf32> to vector<32x1024xf32>
    %add3A = arith.addf %get3A_4, %get3A_10 : vector<32x1024xf32>
    %get3A_11 = arith.constant 0 : index
    %get3A_12 = arith.constant 0 : index
    %get3A_13 = arith.constant 0 : index
    %get3A_14 = arith.constant 0 : index
    %get3A_15 = vector.load %arg1[%get3A_11, %get3A_12, %get3A_13, %get3A_14] : memref<32x2x1x1024xf32, #tpu.memory_space<vmem>>, vector<32x1x1x1024xf32>
    %get3A_16 = vector.shape_cast %get3A_15 : vector<32x1x1x1024xf32> to vector<32x1024xf32>
    %get3A_17 = arith.constant 0 : index
    %get3A_18 = arith.constant 1 : index
    %get3A_19 = arith.constant 0 : index
    %get3A_20 = arith.constant 0 : index
    %get3A_21 = vector.load %arg1[%get3A_17, %get3A_18, %get3A_19, %get3A_20] : memref<32x2x1x1024xf32, #tpu.memory_space<vmem>>, vector<32x1x1x1024xf32>
    %get3A_22 = vector.shape_cast %get3A_21 : vector<32x1x1x1024xf32> to vector<32x1024xf32>
    %add3A_23 = arith.addf %get3A_16, %get3A_22 : vector<32x1024xf32>
    %div3A = arith.constant 1.024000e+03 : f32
    %div3A_24 = vector.broadcast %div3A : f32 to vector<32x1024xf32>
    %div3A_25 = arith.divf %add3A, %div3A_24 : vector<32x1024xf32>
    %mul3A = arith.mulf %add3A, %add3A : vector<32x1024xf32>
    %div3A_26 = arith.constant 1.024000e+03 : f32
    %div3A_27 = vector.broadcast %div3A_26 : f32 to vector<32x1024xf32>
    %div3A_28 = arith.divf %mul3A, %div3A_27 : vector<32x1024xf32>
    %sub3A = arith.subf %add3A_23, %div3A_28 : vector<32x1024xf32>
    %sub3A_29 = arith.constant 1.024000e+03 : f32
    %sub3A_30 = arith.constant 1.000000e+00 : f32
    %sub3A_31 = arith.subf %sub3A_29, %sub3A_30 : f32
    %div3A_32 = vector.broadcast %sub3A_31 : f32 to vector<32x1024xf32>
    %div3A_33 = arith.divf %sub3A, %div3A_32 : vector<32x1024xf32>
    %max3A = arith.constant 0.000000e+00 : f32
    %max3A_34 = vector.broadcast %max3A : f32 to vector<32x1024xf32>
    %max3A_35 = arith.maximumf %div3A_33, %max3A_34 : vector<32x1024xf32>
    %sqrt3A = math.sqrt %max3A_35 : vector<32x1024xf32>
    %add3A_36 = arith.addf %div3A_25, %sqrt3A : vector<32x1024xf32>
    %get3A_37 = arith.constant 0 : index
    %get3A_38 = arith.constant 0 : index
    %get3A_39 = vector.load %arg2[%get3A_37, %get3A_38] : memref<1024x256xf32, #tpu.memory_space<vmem>>, vector<1024x256xf32>
    %dot_general3A = arith.constant dense<0.000000e+00> : vector<32x256xf32>
    %dot_general3A_40 = tpu.matmul %add3A_36, %get3A_39, %dot_general3A {dimension_numbers = #tpu.dot_dimension_numbers<[1], [0], [0], [1], [0, 0, 1, 1], [], []>, transpose_lhs_hint = false} : vector<32x1024xf32>, vector<1024x256xf32>, vector<32x256xf32> -> vector<32x256xf32>
    %get3A_41 = arith.constant 0 : index
    %get3A_42 = arith.constant 0 : index
    %get3A_43 = vector.load %arg3[%get3A_41, %get3A_42] : memref<1x256xf32, #tpu.memory_space<vmem>>, vector<1x256xf32>
    %add3A_44 = vector.broadcast %get3A_43 : vector<1x256xf32> to vector<32x256xf32>
    %add3A_45 = arith.addf %dot_general3A_40, %add3A_44 : vector<32x256xf32>
    %get3A_46 = arith.constant 0 : index
    %get3A_47 = arith.constant 0 : index
    %get3A_48 = vector.load %arg4[%get3A_46, %get3A_47] : memref<1x256xf32, #tpu.memory_space<vmem>>, vector<1x256xf32>
    %get3A_49 = arith.constant 0 : index
    %get3A_50 = arith.constant 0 : index
    %get3A_51 = vector.load %arg5[%get3A_49, %get3A_50] : memref<1x256xf32, #tpu.memory_space<vmem>>, vector<1x256xf32>
    %reduce_sum3A = arith.constant dense<0.000000e+00> : vector<32xf32>
    %reduce_sum3A_52 = vector.multi_reduction <add>, %add3A_45, %reduce_sum3A [1] : vector<32x256xf32> to vector<32xf32>
    %broadcast_in_dim3A = vector.shape_cast %reduce_sum3A_52 : vector<32xf32> to vector<32x1xf32>
    %div3A_53 = arith.constant 2.560000e+02 : f32
    %div3A_54 = vector.broadcast %div3A_53 : f32 to vector<32x1xf32>
    %div3A_55 = arith.divf %broadcast_in_dim3A, %div3A_54 : vector<32x1xf32>
    %sub3A_56 = vector.broadcast %div3A_55 : vector<32x1xf32> to vector<32x256xf32>
    %sub3A_57 = arith.subf %add3A_45, %sub3A_56 : vector<32x256xf32>
    %integer_pow3A = arith.mulf %sub3A_57, %sub3A_57 : vector<32x256xf32>
    %reduce_sum3A_58 = arith.constant dense<0.000000e+00> : vector<32xf32>
    %reduce_sum3A_59 = vector.multi_reduction <add>, %integer_pow3A, %reduce_sum3A_58 [1] : vector<32x256xf32> to vector<32xf32>
    %broadcast_in_dim3A_60 = vector.shape_cast %reduce_sum3A_59 : vector<32xf32> to vector<32x1xf32>
    %div3A_61 = arith.constant 2.560000e+02 : f32
    %div3A_62 = vector.broadcast %div3A_61 : f32 to vector<32x1xf32>
    %div3A_63 = arith.divf %broadcast_in_dim3A_60, %div3A_62 : vector<32x1xf32>
    %sub3A_64 = vector.broadcast %div3A_55 : vector<32x1xf32> to vector<32x256xf32>
    %sub3A_65 = arith.subf %add3A_45, %sub3A_64 : vector<32x256xf32>
    %add3A_66 = arith.constant 9.99999974E-6 : f32
    %add3A_67 = vector.broadcast %add3A_66 : f32 to vector<32x1xf32>
    %add3A_68 = arith.addf %div3A_63, %add3A_67 : vector<32x1xf32>
    %sqrt3A_69 = math.sqrt %add3A_68 : vector<32x1xf32>
    %div3A_70 = vector.broadcast %sqrt3A_69 : vector<32x1xf32> to vector<32x256xf32>
    %div3A_71 = arith.divf %sub3A_65, %div3A_70 : vector<32x256xf32>
    %mul3A_72 = vector.broadcast %get3A_48 : vector<1x256xf32> to vector<32x256xf32>
    %mul3A_73 = arith.mulf %div3A_71, %mul3A_72 : vector<32x256xf32>
    %add3A_74 = vector.broadcast %get3A_51 : vector<1x256xf32> to vector<32x256xf32>
    %add3A_75 = arith.addf %mul3A_73, %add3A_74 : vector<32x256xf32>
    %max3A_76 = arith.constant 0.000000e+00 : f32
    %max3A_77 = vector.broadcast %max3A_76 : f32 to vector<32x256xf32>
    %max3A_78 = arith.maximumf %add3A_75, %max3A_77 : vector<32x256xf32>
    %get3A_79 = arith.constant 0 : index
    %get3A_80 = arith.constant 0 : index
    %get3A_81 = vector.load %arg6[%get3A_79, %get3A_80] : memref<256x128xf32, #tpu.memory_space<vmem>>, vector<256x128xf32>
    %dot_general3A_82 = arith.constant dense<0.000000e+00> : vector<32x128xf32>
    %dot_general3A_83 = tpu.matmul %max3A_78, %get3A_81, %dot_general3A_82 {dimension_numbers = #tpu.dot_dimension_numbers<[1], [0], [0], [1], [0, 0, 1, 1], [], []>, transpose_lhs_hint = false} : vector<32x256xf32>, vector<256x128xf32>, vector<32x128xf32> -> vector<32x128xf32>
    %get3A_84 = arith.constant 0 : index
    %get3A_85 = arith.constant 0 : index
    %get3A_86 = vector.load %arg7[%get3A_84, %get3A_85] : memref<1x128xf32, #tpu.memory_space<vmem>>, vector<1x128xf32>
    %add3A_87 = vector.broadcast %get3A_86 : vector<1x128xf32> to vector<32x128xf32>
    %add3A_88 = arith.addf %dot_general3A_83, %add3A_87 : vector<32x128xf32>
    %get3A_89 = arith.constant 0 : index
    %get3A_90 = arith.constant 0 : index
    %get3A_91 = vector.load %arg8[%get3A_89, %get3A_90] : memref<128x128xf32, #tpu.memory_space<vmem>>, vector<128x128xf32>
    %dot_general3A_92 = arith.constant dense<0.000000e+00> : vector<32x128xf32>
    %dot_general3A_93 = tpu.matmul %add3A_88, %get3A_91, %dot_general3A_92 {dimension_numbers = #tpu.dot_dimension_numbers<[1], [0], [0], [1], [0, 0, 1, 1], [], []>, transpose_lhs_hint = false} : vector<32x128xf32>, vector<128x128xf32>, vector<32x128xf32> -> vector<32x128xf32>
    %get3A_94 = arith.constant 0 : index
    %get3A_95 = arith.constant 0 : index
    %get3A_96 = vector.load %arg9[%get3A_94, %get3A_95] : memref<1x128xf32, #tpu.memory_space<vmem>>, vector<1x128xf32>
    %add3A_97 = vector.broadcast %get3A_96 : vector<1x128xf32> to vector<32x128xf32>
    %add3A_98 = arith.addf %dot_general3A_93, %add3A_97 : vector<32x128xf32>
    %get3A_99 = arith.constant 0 : index
    %get3A_100 = arith.constant 0 : index
    %get3A_101 = vector.load %arg10[%get3A_99, %get3A_100] : memref<1x128xf32, #tpu.memory_space<vmem>>, vector<1x128xf32>
    %get3A_102 = arith.constant 0 : index
    %get3A_103 = arith.constant 0 : index
    %get3A_104 = vector.load %arg11[%get3A_102, %get3A_103] : memref<1x128xf32, #tpu.memory_space<vmem>>, vector<1x128xf32>
    %reduce_sum3A_105 = arith.constant dense<0.000000e+00> : vector<32xf32>
    %reduce_sum3A_106 = vector.multi_reduction <add>, %add3A_98, %reduce_sum3A_105 [1] : vector<32x128xf32> to vector<32xf32>
    %broadcast_in_dim3A_107 = vector.shape_cast %reduce_sum3A_106 : vector<32xf32> to vector<32x1xf32>
    %div3A_108 = arith.constant 1.280000e+02 : f32
    %div3A_109 = vector.broadcast %div3A_108 : f32 to vector<32x1xf32>
    %div3A_110 = arith.divf %broadcast_in_dim3A_107, %div3A_109 : vector<32x1xf32>
    %sub3A_111 = vector.broadcast %div3A_110 : vector<32x1xf32> to vector<32x128xf32>
    %sub3A_112 = arith.subf %add3A_98, %sub3A_111 : vector<32x128xf32>
    %integer_pow3A_113 = arith.mulf %sub3A_112, %sub3A_112 : vector<32x128xf32>
    %reduce_sum3A_114 = arith.constant dense<0.000000e+00> : vector<32xf32>
    %reduce_sum3A_115 = vector.multi_reduction <add>, %integer_pow3A_113, %reduce_sum3A_114 [1] : vector<32x128xf32> to vector<32xf32>
    %broadcast_in_dim3A_116 = vector.shape_cast %reduce_sum3A_115 : vector<32xf32> to vector<32x1xf32>
    %div3A_117 = arith.constant 1.280000e+02 : f32
    %div3A_118 = vector.broadcast %div3A_117 : f32 to vector<32x1xf32>
    %div3A_119 = arith.divf %broadcast_in_dim3A_116, %div3A_118 : vector<32x1xf32>
    %sub3A_120 = vector.broadcast %div3A_110 : vector<32x1xf32> to vector<32x128xf32>
    %sub3A_121 = arith.subf %add3A_98, %sub3A_120 : vector<32x128xf32>
    %add3A_122 = arith.constant 9.99999974E-6 : f32
    %add3A_123 = vector.broadcast %add3A_122 : f32 to vector<32x1xf32>
    %add3A_124 = arith.addf %div3A_119, %add3A_123 : vector<32x1xf32>
    %sqrt3A_125 = math.sqrt %add3A_124 : vector<32x1xf32>
    %div3A_126 = vector.broadcast %sqrt3A_125 : vector<32x1xf32> to vector<32x128xf32>
    %div3A_127 = arith.divf %sub3A_121, %div3A_126 : vector<32x128xf32>
    %mul3A_128 = vector.broadcast %get3A_101 : vector<1x128xf32> to vector<32x128xf32>
    %mul3A_129 = arith.mulf %div3A_127, %mul3A_128 : vector<32x128xf32>
    %add3A_130 = vector.broadcast %get3A_104 : vector<1x128xf32> to vector<32x128xf32>
    %add3A_131 = arith.addf %mul3A_129, %add3A_130 : vector<32x128xf32>
    %mul3A_132 = arith.mulf %add3A_131, %add3A_131 : vector<32x128xf32>
    %reduce_sum3A_133 = arith.constant dense<0.000000e+00> : vector<32xf32>
    %reduce_sum3A_134 = vector.multi_reduction <add>, %mul3A_132, %reduce_sum3A_133 [1] : vector<32x128xf32> to vector<32xf32>
    %broadcast_in_dim3A_135 = vector.shape_cast %reduce_sum3A_134 : vector<32xf32> to vector<32x1xf32>
    %sqrt3A_136 = math.sqrt %broadcast_in_dim3A_135 : vector<32x1xf32>
    %max3A_137 = arith.constant 9.99999996E-13 : f32
    %max3A_138 = vector.broadcast %max3A_137 : f32 to vector<32x1xf32>
    %max3A_139 = arith.maximumf %sqrt3A_136, %max3A_138 : vector<32x1xf32>
    %div3A_140 = vector.broadcast %max3A_139 : vector<32x1xf32> to vector<32x128xf32>
    %div3A_141 = arith.divf %add3A_131, %div3A_140 : vector<32x128xf32>
    %get3A_142 = arith.constant 0 : index
    %get3A_143 = arith.constant 0 : index
    %get3A_144 = vector.load %arg12[%get3A_142, %get3A_143] : memref<8x128xf32, #tpu.memory_space<vmem>>, vector<8x128xf32>
    %mul3A_145 = arith.mulf %get3A_144, %get3A_144 : vector<8x128xf32>
    %reduce_sum3A_146 = arith.constant dense<0.000000e+00> : vector<8xf32>
    %reduce_sum3A_147 = vector.multi_reduction <add>, %mul3A_145, %reduce_sum3A_146 [1] : vector<8x128xf32> to vector<8xf32>
    %broadcast_in_dim3A_148 = vector.shape_cast %reduce_sum3A_147 : vector<8xf32> to vector<8x1xf32>
    %sqrt3A_149 = math.sqrt %broadcast_in_dim3A_148 : vector<8x1xf32>
    %max3A_150 = arith.constant 9.99999996E-13 : f32
    %max3A_151 = vector.broadcast %max3A_150 : f32 to vector<8x1xf32>
    %max3A_152 = arith.maximumf %sqrt3A_149, %max3A_151 : vector<8x1xf32>
    %div3A_153 = vector.broadcast %max3A_152 : vector<8x1xf32> to vector<8x128xf32>
    %div3A_154 = arith.divf %get3A_144, %div3A_153 : vector<8x128xf32>
    %dot_general3A_155 = arith.constant dense<0.000000e+00> : vector<32x8xf32>
    %dot_general3A_156 = tpu.matmul %div3A_141, %div3A_154, %dot_general3A_155 {dimension_numbers = #tpu.dot_dimension_numbers<[1], [1], [0], [0], [0, 0, 1, 0], [], []>, transpose_lhs_hint = false} : vector<32x128xf32>, vector<8x128xf32>, vector<32x8xf32> -> vector<32x8xf32>
    %argmax3A = tpu.reduce_index %dot_general3A_156 {axis = 1 : i32, kind = #tpu.reduction_kind<arg_max>} : vector<32x8xf32> -> vector<32xi32>
    %swap3A = arith.constant 0 : index
    %swap3A_157 = arith.constant 0 : index
    %swap3A_158 = vector.load %arg18[%swap3A, %swap3A_157] : memref<1x32xi32, #tpu.memory_space<vmem>>, vector<1x32xi32>
    %swap3A_159 = vector.shape_cast %swap3A_158 : vector<1x32xi32> to vector<32xi32>
    %swap3A_160 = vector.shape_cast %argmax3A : vector<32xi32> to vector<1x32xi32>
    tpu.vector_store %arg18[%swap3A, %swap3A_157], %swap3A_160 {strides = array<i32>} : memref<1x32xi32, #tpu.memory_space<vmem>>, vector<1x32xi32>,
    %get3A_161 = arith.constant 0 : index
    %get3A_162 = arith.constant 0 : index
    %get3A_163 = vector.load %arg13[%get3A_161, %get3A_162] : memref<256x64xf32, #tpu.memory_space<vmem>>, vector<256x64xf32>
    %mul3A_164 = arith.mulf %get3A_163, %get3A_163 : vector<256x64xf32>
    %reduce_sum3A_165 = arith.constant dense<0.000000e+00> : vector<256xf32>
    %reduce_sum3A_166 = vector.multi_reduction <add>, %mul3A_164, %reduce_sum3A_165 [1] : vector<256x64xf32> to vector<256xf32>
    %broadcast_in_dim3A_167 = vector.shape_cast %reduce_sum3A_166 : vector<256xf32> to vector<256x1xf32>
    %sqrt3A_168 = math.sqrt %broadcast_in_dim3A_167 : vector<256x1xf32>
    %max3A_169 = arith.constant 9.99999996E-13 : f32
    %max3A_170 = vector.broadcast %max3A_169 : f32 to vector<256x1xf32>
    %max3A_171 = arith.maximumf %sqrt3A_168, %max3A_170 : vector<256x1xf32>
    %div3A_172 = vector.broadcast %max3A_171 : vector<256x1xf32> to vector<256x64xf32>
    %div3A_173 = arith.divf %get3A_163, %div3A_172 : vector<256x64xf32>
    %reshape3A = vector.shape_cast %div3A_173 : vector<256x64xf32> to vector<8x32x64xf32>
    %swap3A_174 = arith.constant 0 : index
    %swap3A_175 = arith.constant 0 : index
    %swap3A_176 = arith.constant 0 : index
    %swap3A_177 = vector.load %arg19[%swap3A_174, %swap3A_175, %swap3A_176] : memref<8x32x64xf32, #tpu.memory_space<vmem>>, vector<8x32x64xf32>
    tpu.vector_store %arg19[%swap3A_174, %swap3A_175, %swap3A_176], %reshape3A {strides = array<i32>} : memref<8x32x64xf32, #tpu.memory_space<vmem>>, vector<8x32x64xf32>,
    %get3A_178 = arith.constant 0 : index
    %get3A_179 = arith.constant 0 : index
    %get3A_180 = vector.load %arg14[%get3A_178, %get3A_179] : memref<64x256xf32, #tpu.memory_space<vmem>>, vector<64x256xf32>
    %dot_general3A_181 = arith.constant dense<0.000000e+00> : vector<256x256xf32>
    %dot_general3A_182 = tpu.matmul %get3A_163, %get3A_180, %dot_general3A_181 {dimension_numbers = #tpu.dot_dimension_numbers<[1], [0], [0], [1], [0, 0, 1, 1], [], []>, transpose_lhs_hint = false} : vector<256x64xf32>, vector<64x256xf32>, vector<256x256xf32> -> vector<256x256xf32>
    %get3A_183 = arith.constant 0 : index
    %get3A_184 = arith.constant 0 : index
    %get3A_185 = vector.load %arg15[%get3A_183, %get3A_184] : memref<1x256xf32, #tpu.memory_space<vmem>>, vector<1x256xf32>
    %add3A_186 = vector.broadcast %get3A_185 : vector<1x256xf32> to vector<256x256xf32>
    %add3A_187 = arith.addf %dot_general3A_182, %add3A_186 : vector<256x256xf32>
    %get3A_188 = arith.constant 0 : index
    %get3A_189 = arith.constant 0 : index
    %get3A_190 = vector.load %arg16[%get3A_188, %get3A_189] : memref<1x256xf32, #tpu.memory_space<vmem>>, vector<1x256xf32>
    %get3A_191 = arith.constant 0 : index
    %get3A_192 = arith.constant 0 : index
    %get3A_193 = vector.load %arg17[%get3A_191, %get3A_192] : memref<1x256xf32, #tpu.memory_space<vmem>>, vector<1x256xf32>
    %reduce_sum3A_194 = arith.constant dense<0.000000e+00> : vector<256xf32>
    %reduce_sum3A_195 = vector.multi_reduction <add>, %add3A_187, %reduce_sum3A_194 [1] : vector<256x256xf32> to vector<256xf32>
    %broadcast_in_dim3A_196 = vector.shape_cast %reduce_sum3A_195 : vector<256xf32> to vector<256x1xf32>
    %div3A_197 = arith.constant 2.560000e+02 : f32
    %div3A_198 = vector.broadcast %div3A_197 : f32 to vector<256x1xf32>
    %div3A_199 = arith.divf %broadcast_in_dim3A_196, %div3A_198 : vector<256x1xf32>
    %sub3A_200 = vector.broadcast %div3A_199 : vector<256x1xf32> to vector<256x256xf32>
    %sub3A_201 = arith.subf %add3A_187, %sub3A_200 : vector<256x256xf32>
    %integer_pow3A_202 = arith.mulf %sub3A_201, %sub3A_201 : vector<256x256xf32>
    %reduce_sum3A_203 = arith.constant dense<0.000000e+00> : vector<256xf32>
    %reduce_sum3A_204 = vector.multi_reduction <add>, %integer_pow3A_202, %reduce_sum3A_203 [1] : vector<256x256xf32> to vector<256xf32>
    %broadcast_in_dim3A_205 = vector.shape_cast %reduce_sum3A_204 : vector<256xf32> to vector<256x1xf32>
    %div3A_206 = arith.constant 2.560000e+02 : f32
    %div3A_207 = vector.broadcast %div3A_206 : f32 to vector<256x1xf32>
    %div3A_208 = arith.divf %broadcast_in_dim3A_205, %div3A_207 : vector<256x1xf32>
    %sub3A_209 = vector.broadcast %div3A_199 : vector<256x1xf32> to vector<256x256xf32>
    %sub3A_210 = arith.subf %add3A_187, %sub3A_209 : vector<256x256xf32>
    %add3A_211 = arith.constant 9.99999974E-6 : f32
    %add3A_212 = vector.broadcast %add3A_211 : f32 to vector<256x1xf32>
    %add3A_213 = arith.addf %div3A_208, %add3A_212 : vector<256x1xf32>
    %sqrt3A_214 = math.sqrt %add3A_213 : vector<256x1xf32>
    %div3A_215 = vector.broadcast %sqrt3A_214 : vector<256x1xf32> to vector<256x256xf32>
    %div3A_216 = arith.divf %sub3A_210, %div3A_215 : vector<256x256xf32>
    %mul3A_217 = vector.broadcast %get3A_190 : vector<1x256xf32> to vector<256x256xf32>
    %mul3A_218 = arith.mulf %div3A_216, %mul3A_217 : vector<256x256xf32>
    %add3A_219 = vector.broadcast %get3A_193 : vector<1x256xf32> to vector<256x256xf32>
    %add3A_220 = arith.addf %mul3A_218, %add3A_219 : vector<256x256xf32>
    %swap3A_221 = arith.constant 0 : index
    %swap3A_222 = arith.constant 0 : index
    %swap3A_223 = vector.load %arg20[%swap3A_221, %swap3A_222] : memref<256x256xf32, #tpu.memory_space<vmem>>, vector<256x256xf32>
    tpu.vector_store %arg20[%swap3A_221, %swap3A_222], %add3A_220 {strides = array<i32>} : memref<256x256xf32, #tpu.memory_space<vmem>>, vector<256x256xf32>,
    return
  }
}

</mosaic_0001>

<sc_bundles>
// kernel: kernel.6.cloned.1.call-start
scs
__scs_entry_jumppad:
0x0: {  	(pc) =	sbr.rel $0x88, $3  }
0x1: {  	(tag) =	ssettag $0x0;
	lr =	simm.s32 $0x1  }
0x2: {  	[smem:$0x3F86] =	sst lr;
	_ =	strace $0xD0000000  }
0x3: {  	_ = 	snop  }
0x4: {  	_ = 	snop  }
0x5: {  	_ = 	snop  }
0x6: {  	_ = 	snop  }
0x7: {  	_ = 	snop  }
__scs_overlays_trampoline_lowered:
0x8: {  	[smem:$0x3F95] =	sst s0  }
0x9: {  	[smem:$0x3F96] =	sst s1  }
0xa: {  	[smem:$0x3F97] =	sst s2  }
0xb: {  	[smem:$0x3F98] =	sst s3  }
0xc: {  	[smem:$0x3F99] =	sst s4  }
0xd: {  	[smem:$0x3F9A] =	sst s5  }
0xe: {  	[smem:$0x3F9B] =	sst s6  }
0xf: {  	[smem:$0x3F9C] =	sst s7  }
0x10: {  	[smem:$0x3F9D] =	sst s8  }
0x11: {  	[smem:$0x3F9E] =	sst s9;
	s0 =	simm.s32 @!p0 $0x0  }
0x12: {  	s1 =	sld [smem:$0x3F84];
	s0 =	simm.s32 @p0 $0x1  }
0x13: {  	[smem:$0x3F9F] =	sst s0;
	s0 =	simm.s32 @!p1 $0x0  }
0x14: {  	s2 =	sld [smem:$0x3F83];
	s0 =	simm.s32 @p1 $0x1  }
0x15: {  	[smem:$0x3FA0] =	sst s0;
	s0 =	simm.s32 @!p2 $0x0  }
0x16: {  	s3 =	sld [smem:$0x3FDB];
	s0 =	simm.s32 @p2 $0x1  }
0x17: {  	s4 =	simm.s32 $0x1BF5;
	[smem:$0x3FA2] =	sst s0  }
0x18: {  	s0 =	sld [smem:$0x3F85];
	_ =	swait.ge [sflag:s4], $0x0  }
0x19: {  	s7 =	sld [smem:$0x3F86]  }
0x1a: {  	s8 =	sadd.s32 $0xFFFFE003, lr  }
0x1b: {  	s9 =	sadd.s32 $0xFFFFFEF7, lr;
	s5 =	simm.s32 $0xFFFFFFFF;
	p2 =	slt.u32 s8, $0xFFFFF086  }
0x1c: {  	p1 =	slt.u32 s9, $0xF7A;
	s5 =	simm.s32 @!p2 $0x0  }
0x1d: {  	s5 =	simm.s32 @p1 $0x1;
	p0 =	seq.s32 s7, s2  }
0x1e: {  	s7 =	smul.u32 @!p0 $0xF7A, s2;
	p2 =	seq.s32 @!p0 s5, $0x0  }
0x1f: {  	s9 =	smul.u32 $0xF7A, s1;
	s8 =	simm.s32 @!p0 $0x1BF5;
	p2 =	por !p2, p0  }
0x20: {  	[sflag:s8] =	ssyncset.s32 @!p0 $0xFFFFF086;
	s6 =	sadd.s32 @!p0 s3, s7;
	s7 =	simm.s32 @!p0 $0x108  }
0x21: {  	s3 =	sadd.s32 s3, s9;
	s6 =	sadd.s32 @!p0 $0x88, s6;
	s7 =	simm.s32 @p2 $0x1082  }
0x22: {  	[simem:s7], [sflag:s8] =	dma.local @!p0 [hbm:s6], $0xF7A  }
0x23: {  	s9 =	sor.u32 $0xD0000000, s2;
	s6 =	simm.s32 $0x108;
	_ =	swait.ge @!p0 [sflag:s8], $0x0  }
0x24: {  	s3 =	sadd.s32 $0x88, s3;
	s6 =	simm.s32 @!p1 $0x1082;
	[sflag:s4] =	ssyncset.s32 $0xFFFFF086  }
0x25: {  	[simem:s6], [sflag:s4] =	dma.local [hbm:s3], $0xF7A  }
0x26: {  	[smem:$0x3F86] =	sst s1;
	(tag) =	ssettag s2;
	_ =	strace s9  }
0x27: {  	s1 =	sld [smem:$0x3F96]  }
0x28: {  	s2 =	sld [smem:$0x3F97]  }
0x29: {  	s4 =	sld [smem:$0x3F99]  }
0x2a: {  	p0 =	seq.s32 s5, $0x0;
	s5 =	sld [smem:$0x3F9A]  }
0x2b: {  	s6 =	sld [smem:$0x3F9B]  }
0x2c: {  	s7 =	sld [smem:$0x3F9C]  }
0x2d: {  	s3 =	simm.s32 $0x108;
	s8 =	sld [smem:$0x3F9D]  }
0x2e: {  	s3 =	simm.s32 @!p0 $0x1082;
	s9 =	sld [smem:$0x3F9E]  }
0x2f: {  	lr =	sadd.s32 s0, s3;
	s0 =	sld [smem:$0x3F95]  }
0x30: {  	s3 =	sld [smem:$0x3F98]  }
0x31: {  	[smem:$0x3FA1] =	sst s10  }
0x32: {  	s10 =	sld [smem:$0x3F9F];
	_ =	sdelay $0x3  }
0x33: {  	p0 =	seq.s32 s10, $0x1;
	s10 =	sld [smem:$0x3FA1];
	_ =	sdelay $0x3  }
0x34: {  	[smem:$0x3FA1] =	sst s10  }
0x35: {  	s10 =	sld [smem:$0x3FA0];
	_ =	sdelay $0x3  }
0x36: {  	p1 =	seq.s32 s10, $0x1;
	s10 =	sld [smem:$0x3FA1];
	_ =	sdelay $0x3  }
0x37: {  	[smem:$0x3FA1] =	sst s10  }
0x38: {  	s10 =	sld [smem:$0x3FA2]  }
0x39: {  	_ = 	snop;
	(pc) =	sbr.ind lr, $3  }
0x3a: {  	_ = 	snop  }
0x3b: {  	_ = 	snop  }
0x3c: {  	p2 =	seq.s32 s10, $0x1;
	s10 =	sld [smem:$0x3FA1]  }
0x3d: {  	_ =	shalt  }
0x3e: {  	_ =	shalt  }
0x3f: {  	_ =	shalt  }
0x40: {  	_ =	shalt  }
0x41: {  	_ =	shalt  }
0x42: {  	_ =	shalt  }
0x43: {  	_ =	shalt  }
0x44: {  	_ =	shalt  }
0x45: {  	_ =	shalt  }
0x46: {  	_ =	shalt  }
0x47: {  	_ =	shalt  }
0x48: {  	_ =	shalt  }
0x49: {  	_ =	shalt  }
0x4a: {  	_ =	shalt  }
0x4b: {  	_ =	shalt  }
0x4c: {  	_ =	shalt  }
0x4d: {  	_ =	shalt  }
0x4e: {  	_ =	shalt  }
0x4f: {  	_ =	shalt  }
0x50: {  	_ =	shalt  }
0x51: {  	_ =	shalt  }
0x52: {  	_ =	shalt  }
0x53: {  	_ =	shalt  }
0x54: {  	_ =	shalt  }
0x55: {  	_ =	shalt  }
0x56: {  	_ =	shalt  }
0x57: {  	_ =	shalt  }
0x58: {  	_ =	shalt  }
0x59: {  	_ =	shalt  }
0x5a: {  	_ =	shalt  }
0x5b: {  	_ =	shalt  }
0x5c: {  	_ =	shalt  }
0x5d: {  	_ =	shalt  }
0x5e: {  	_ =	shalt  }
0x5f: {  	_ =	shalt  }
0x60: {  	_ =	shalt  }
0x61: {  	_ =	shalt  }
0x62: {  	_ =	shalt  }
0x63: {  	_ =	shalt  }
0x64: {  	_ =	shalt  }
0x65: {  	_ =	shalt  }
0x66: {  	_ =	shalt  }
0x67: {  	_ =	shalt  }
0x68: {  	_ =	shalt  }
0x69: {  	_ =	shalt  }
0x6a: {  	_ =	shalt  }
0x6b: {  	_ =	shalt  }
0x6c: {  	_ =	shalt  }
0x6d: {  	_ =	shalt  }
0x6e: {  	_ =	shalt  }
0x6f: {  	_ =	shalt  }
0x70: {  	_ =	shalt  }
0x71: {  	_ =	shalt  }
0x72: {  	_ =	shalt  }
0x73: {  	_ =	shalt  }
0x74: {  	_ =	shalt  }
0x75: {  	_ =	shalt  }
0x76: {  	_ =	shalt  }
0x77: {  	_ =	shalt  }
0x78: {  	_ =	shalt  }
0x79: {  	_ =	shalt  }
0x7a: {  	_ =	shalt  }
0x7b: {  	_ =	shalt  }
0x7c: {  	_ =	shalt  }
0x7d: {  	_ =	shalt  }
0x7e: {  	_ =	shalt  }
0x7f: {  	_ =	shalt  }
0x80: {  	_ =	shalt  }
0x81: {  	_ =	shalt  }
0x82: {  	_ =	shalt  }
0x83: {  	_ =	shalt  }
0x84: {  	_ =	shalt  }
0x85: {  	_ =	shalt  }
0x86: {  	_ =	shalt  }
0x87: {  	_ =	shalt  }
.Lfunc_end0:
.L_simem_size_0:
called_computation_lowered:
.L_overlay_start_0:
0x88: {  	s2 =	sld [smem:$0x3FD9]  }
0x89: {  	s3 =	sld [smem:$0x3FFE];
	_ =	sdelay $0x1  }
0x8a: {  	s1 =	srdreg.scid  }
0x8b: {  	s0 =	sand.u32 $0x1, s1  }
0x8c: {  	s17 =	sshll.u32 s0, $0xA;
	s2 =	sadd.s32 s3, s2  }
0x8d: {  	s2 =	sadd.s32 s2, s17  }
0x8e: {  	[smem:$0x3FAD] =	sst s2  }
0x8f: {  	_ = 	snop  }
0x90: {  	s2 =	sld [smem:$0x3FD0];
	(tm) =	ssettm $0x1  }
0x91: {  	s18 =	sld [smem:$0x3FFB];
	_ =	sdelay $0x3  }
0x92: {  	_ =	strace s18  }
0x93: {  	s3 =	sld [smem:$0x3FFC];
	_ =	sdelay $0x3  }
0x94: {  	_ =	strace s3  }
0x95: {  	s3 =	sld [smem:$0x3FFD];
	_ =	sdelay $0x3  }
0x96: {  	_ =	strace s3  }
0x97: {  	_ =	strace $0x8FFFFFFF  }
0x98: {  	s19 =	sld [smem:$0x3FDB];
	_ =	sdelay $0x1  }
0x99: {  	s4 =	simm.s32 $_scs_section_size  }
0x9a: {  	s5 =	simm.s32 $_size__tile_overlayer_lowered;
	s6 =	simm.s32 $_tile_overlayer_lowered  }
0x9b: {  	s22 =	simm.s32 $0x1BFF;
	s21 =	sshll.u32 s6, $0x1;
	s3 =	sadd.s32 s4, s19  }
0x9c: {  	s7 =	simm.s32 $0x0;
	s20 =	sshll.u32 s5, $0x1;
	s5 =	sadd.s32 s21, s3  }
0x9d: {  	[timem:s7], [sflag:s22] =	dma.local [hbm:s5], s20  }
0x9e: {  	_ =	swait.ge [sflag:s22], s20  }
0x9f: {  	s4 =	ssub.s32 $0x0, s20;
	[sflag:s22] =	ssyncset.done $0x0  }
0xa0: {  	[sflag:s22] =	ssyncadd.s32 s4;
	_ =	sdelay $0x1  }
0xa1: {  	s23 =	simm.s32 $0x1B8B  }
0xa2: {  	_ =	swait.ge [sflag:s23], $0x1  }
0xa3: {  	[sflag:s23] =	ssyncset.done $0x0  }
0xa4: {  	s25 =	simm.s32 $0x1B8E;
	s24 =	sld [smem:$0x3FFE];
	[sflag:s23] =	ssyncadd.s32 $0xFFFFFFFF  }
0xa5: {  	s26 =	simm.s32 $execute0_lowered;
	[smem:$0x3FD2] =	sst s25  }
0xa6: {  	s5 =	sshll.u32 s26, $0x1;
	_ =	strace $0x80000046;
	[dreg:$0x1] =	wrdreg $0xFFFFFFFF  }
0xa7: {  	s28 =	simm.s32 $_size_execute0_lowered;
	s3 =	sadd.s32 s3, s5;
	[dreg:$0x0] =	wrdreg $0x0  }
0xa8: {  	s5 =	sshll.u32 s28, $0x1;
	[dreg:$0x2] =	wrdreg s3  }
0xa9: {  	[dreg:$0x3] =	wrdreg s5  }
0xaa: {  	[dreg:$0x4] =	wrdreg $0xC0  }
0xab: {  	_ =	task [dreg:s7], $0x5FFFF  }
0xac: {  	[dreg:$0x1] =	wrdreg $0xFFFFFFFF  }
0xad: {  	[dreg:$0x0] =	wrdreg $0x60  }
0xae: {  	[dreg:$0x2] =	wrdreg s24  }
0xaf: {  	[dreg:$0x3] =	wrdreg s2  }
0xb0: {  	[dreg:$0x4] =	wrdreg $0x9  }
0xb1: {  	_ =	task.clear_ibuf [dreg:s7], $0x5FFFF;
	_ =	strace $0x90000046  }
0xb2: {  	s29 =	simm.s32 $0x9;
	_ =	strace $0x80000048  }
0xb3: {  	_ =	swait.ge [sflag:s29], $0x1  }
0xb4: {  	[sflag:s29] =	ssyncadd.s32 $0xFFFFFFFF  }
0xb5: {  	_ =	strace $0x90000048  }
0xb6: {  	_ =	sfence  }
0xb7: {  	s30 =	sld [smem:$0x0];
	_ =	sdelay $0x2  }
0xb8: {  	s31 =	sshll.u32 s1, $0xD;
	s1 =	sshrl.u32 s1, $0x2  }
0xb9: {  	s3 =	sand.u32 $0x4000, s31;
	s1 =	sadd.s32 s1, s30  }
0xba: {  	s0 =	sor.u32 s3, s0;
	s1 =	sshll.u32 s1, $0x11  }
0xbb: {  	s0 =	sor.u32 s1, s0  }
0xbc: {  	s0 =	sadd.s32 $0x8F2B, s0  }
0xbd: {  	[sflag:s0] =	ssyncadd.remote.s32 $0x1  }
0xbe: {  	_ =	sfence.sel $0xFFFF  }
0xbf: {  	[dreg:$0x0] =	wrdreg $0xFFFFFFFF;
	(pc) =	sbr.abs _section_cstart, $3  }
0xc0: {  	[dreg:$0x1] =	wrdreg $0xFFFFFFFF  }
0xc1: {  	_ =	task.clear_ibuf [dreg:s7], $0x2FFFF;
	_ =	strace $0x9FFFFFFF  }
0xc2: {  	(tm) =	ssettm $0x7FFFFFFF  }
0xc3: {  	_ =	shalt  }
tec
execute0_lowered:
.L_overlay_start_1:
0x0: {  	(tag) =	ssettag $0x1  }
0x1: {  	s0 =	srdreg.scid  }
0x2: {  	s2 =	stileid.u32;
	s0 =	sand.u32 $0x1, s0  }
0x3: {  	s1 =	rddreg [dreg:$0x0];
	s2 =	sshll.u32 s2, $0xB;
	s3 =	sshll.u32 s0, $0xA  }
0x4: {  	s4 =	rddreg [dreg:$0x1];
	s6 =	simm.s32 $0x3;
	s3 =	sor.u32 s3, s2  }
0x5: {  	s2 =	simm.s32 $0x0;
	s5 =	sshrl.u32 s3, $0x3;
	s3 =	sshll.u32 s3, $0x5  }
0x6: {  	[smem:$0x7FF] =	sst s2;
	s5 =	sadd.s32 s5, s1;
	s4 =	sadd.s32 s4, s3  }
0x7: {  	_ =	strace $0x80000047;
	s5 =	sadd.s32 $0x6200, s5;
	[dreg:$0xb] =	wrdreg s4  }
0x8: {  	s23 =	simm.s32 $0x8400;
	s3 =	sadd.s32 $0x1000, s4;
	[dreg:$0x3] =	wrdreg s5  }
0x9: {  	s13 =	simm.s32 $0x1;
	s24 =	sadd.s32 $0x2000, s4;
	[dreg:$0x4] =	wrdreg s3  }
0xa: {  	s14 =	simm.s32 $0x2;
	s25 =	sadd.s32 $0x3000, s4;
	[dreg:$0x5] =	wrdreg s24  }
0xb: {  	s0 =	ssub.s32 $0x2, s0;
	s26 =	sadd.s32 $0x4000, s4;
	[dreg:$0x6] =	wrdreg s25  }
0xc: {  	s30 =	sshrl.u32 s0, $0x1;
	s28 =	sadd.s32 $0x5000, s4;
	[dreg:$0x7] =	wrdreg s26  }
0xd: {  	v2 =	vlaneseq.u32;
	s0 =	ssub.s32 s0, s30;
	s29 =	sadd.s32 $0x6000, s4;
	[dreg:$0x8] =	wrdreg s28  }
0xe: {  	vm0 =	vmmov $0xffff;
	v1 =	vshrl.u32 v2, $0x3;
	s31 =	sadd.s32 $0x7000, s4;
	s4 =	sadd.s32 $0x4200, s1;
	[dreg:$0x9] =	wrdreg s29  }
0xf: {  	v0 =	vand.u32 $0x7, v2;
	v2 =	vor.u32 $0x8, v2;
	v1 =	vmul.u32 $0x8, v1;
	[dreg:$0xa] =	wrdreg s31;
	s5 =	smax.u32 s0, $0x1;
	s24 =	simm.s32 $0x400  }
.LBB2_1:
0x10: {  	s15 =	rddreg [dreg:$0x3]  }
0x11: {  	[tilespmem:s2], [sflag:$0x3] =	stream.linear.gather [hbm4b:s15+s2], $0x400, $0x38;
	[tilespmem:$0x10400] =	vst v63  }
0x12: {  	_ =	swait.ge [sflag:s6], $0x400  }
0x13: {  	[sflag:s6] =	ssyncset.done $0x0  }
0x14: {  	[sflag:s6] =	ssyncadd.s32 $0xFFFFFC00  }
0x15: {  	v3 =	vld [tilespmem:$0x0];
	_ =	sdelay $0x4  }
0x16: {  	v4 =	vshll.u32 v3, $0x1  }
0x17: {  	v3 =	vand.u32 $0x7, v3;
	v4 =	vand.u32 $0xFFFFFFF0, v4  }
0x18: {  	v3 =	vor.u32 v3, v4  }
0x19: {  	v4 =	vperm.xlane v3, v0;
	_ =	sdelay $0x1  }
0x1a: {  	v3 =	vperm.xlane v3, v2;
	v4 =	vadd.s32 v1, v4;
	_ =	sdelay $0x1  }
0x1b: {  	v3 =	vadd.s32 v1, v3;
	_ =	sdelay $0x2  }
0x1c: {  	[tilespmem:s24], [sflag:$0x1] =	stream.indirect_vreg.gather [hbm4b:s4+s2], $0x80, v4, vm0, $0xb8;
	[tilespmem:$0x10400] =	vst v63  }
0x1d: {  	s0 =	simm.s32 $0xC00  }
0x1e: {  	[tilespmem:s0], [sflag:$0x1] =	stream.indirect_vreg.gather [hbm4b:s4+s2], $0x80, v3, vm0, $0xb8;
	[tilespmem:$0x10400] =	vst v63  }
0x1f: {  	v3 =	vld [tilespmem:$0x10];
	_ =	sdelay $0x4  }
0x20: {  	v57 =	vshll.u32 v3, $0x1  }
0x21: {  	v3 =	vand.u32 $0x7, v3;
	v4 =	vand.u32 $0xFFFFFFF0, v57  }
0x22: {  	v3 =	vor.u32 v3, v4  }
0x23: {  	v4 =	vperm.xlane v3, v0;
	_ =	sdelay $0x1  }
0x24: {  	v3 =	vperm.xlane v3, v2;
	v4 =	vadd.s32 v1, v4;
	_ =	sdelay $0x1  }
0x25: {  	v3 =	vadd.s32 v1, v3;
	_ =	sdelay $0x1  }
0x26: {  	s28 =	simm.s32 $0x1400  }
0x27: {  	[tilespmem:s28], [sflag:$0x1] =	stream.indirect_vreg.gather [hbm4b:s4+s2], $0x80, v4, vm0, $0xb8;
	[tilespmem:$0x10400] =	vst v63  }
0x28: {  	s29 =	simm.s32 $0x1C00  }
0x29: {  	[tilespmem:s29], [sflag:$0x1] =	stream.indirect_vreg.gather [hbm4b:s4+s2], $0x80, v3, vm0, $0xb8;
	[tilespmem:$0x10400] =	vst v63  }
0x2a: {  	v3 =	vld [tilespmem:$0x20];
	_ =	sdelay $0x4  }
0x2b: {  	v58 =	vshll.u32 v3, $0x1  }
0x2c: {  	v3 =	vand.u32 $0x7, v3;
	v4 =	vand.u32 $0xFFFFFFF0, v58  }
0x2d: {  	v3 =	vor.u32 v3, v4  }
0x2e: {  	v4 =	vperm.xlane v3, v0;
	_ =	sdelay $0x1  }
0x2f: {  	v3 =	vperm.xlane v3, v2;
	v4 =	vadd.s32 v1, v4;
	_ =	sdelay $0x1  }
0x30: {  	v3 =	vadd.s32 v1, v3;
	_ =	sdelay $0x1  }
0x31: {  	s30 =	simm.s32 $0x2400  }
0x32: {  	[tilespmem:s30], [sflag:$0x1] =	stream.indirect_vreg.gather [hbm4b:s4+s2], $0x80, v4, vm0, $0xb8;
	[tilespmem:$0x10400] =	vst v63  }
0x33: {  	s31 =	simm.s32 $0x2C00  }
0x34: {  	[tilespmem:s31], [sflag:$0x1] =	stream.indirect_vreg.gather [hbm4b:s4+s2], $0x80, v3, vm0, $0xb8;
	[tilespmem:$0x10400] =	vst v63  }
0x35: {  	v3 =	vld [tilespmem:$0x30];
	_ =	sdelay $0x4  }
0x36: {  	v59 =	vshll.u32 v3, $0x1  }
0x37: {  	v3 =	vand.u32 $0x7, v3;
	v4 =	vand.u32 $0xFFFFFFF0, v59  }
0x38: {  	v3 =	vor.u32 v3, v4  }
0x39: {  	v4 =	vperm.xlane v3, v0;
	_ =	sdelay $0x1  }
0x3a: {  	v3 =	vperm.xlane v3, v2;
	v4 =	vadd.s32 v1, v4;
	_ =	sdelay $0x1  }
0x3b: {  	v3 =	vadd.s32 v1, v3;
	_ =	sdelay $0x1  }
0x3c: {  	s1 =	simm.s32 $0x3400  }
0x3d: {  	[tilespmem:s1], [sflag:$0x1] =	stream.indirect_vreg.gather [hbm4b:s4+s2], $0x80, v4, vm0, $0xb8;
	[tilespmem:$0x10400] =	vst v63  }
0x3e: {  	s10 =	simm.s32 $0x3C00  }
0x3f: {  	[tilespmem:s10], [sflag:$0x1] =	stream.indirect_vreg.gather [hbm4b:s4+s2], $0x80, v3, vm0, $0xb8;
	[tilespmem:$0x10400] =	vst v63  }
0x40: {  	v3 =	vld [tilespmem:$0x40];
	_ =	sdelay $0x4  }
0x41: {  	v60 =	vshll.u32 v3, $0x1  }
0x42: {  	v3 =	vand.u32 $0x7, v3;
	v4 =	vand.u32 $0xFFFFFFF0, v60  }
0x43: {  	v3 =	vor.u32 v3, v4  }
0x44: {  	v4 =	vperm.xlane v3, v0;
	_ =	sdelay $0x1  }
0x45: {  	v3 =	vperm.xlane v3, v2;
	v4 =	vadd.s32 v1, v4;
	_ =	sdelay $0x1  }
0x46: {  	v3 =	vadd.s32 v1, v3;
	_ =	sdelay $0x1  }
0x47: {  	s11 =	simm.s32 $0x4400  }
0x48: {  	[tilespmem:s11], [sflag:$0x1] =	stream.indirect_vreg.gather [hbm4b:s4+s2], $0x80, v4, vm0, $0xb8;
	[tilespmem:$0x10400] =	vst v63  }
0x49: {  	s12 =	simm.s32 $0x4C00  }
0x4a: {  	[tilespmem:s12], [sflag:$0x1] =	stream.indirect_vreg.gather [hbm4b:s4+s2], $0x80, v3, vm0, $0xb8;
	[tilespmem:$0x10400] =	vst v63  }
0x4b: {  	v3 =	vld [tilespmem:$0x50];
	_ =	sdelay $0x4  }
0x4c: {  	v61 =	vshll.u32 v3, $0x1  }
0x4d: {  	v3 =	vand.u32 $0x7, v3;
	v4 =	vand.u32 $0xFFFFFFF0, v61  }
0x4e: {  	v3 =	vor.u32 v3, v4  }
0x4f: {  	v4 =	vperm.xlane v3, v0;
	_ =	sdelay $0x1  }
0x50: {  	v3 =	vperm.xlane v3, v2;
	v4 =	vadd.s32 v1, v4;
	_ =	sdelay $0x1  }
0x51: {  	v3 =	vadd.s32 v1, v3;
	_ =	sdelay $0x1  }
0x52: {  	s15 =	simm.s32 $0x5400  }
0x53: {  	[tilespmem:s15], [sflag:$0x1] =	stream.indirect_vreg.gather [hbm4b:s4+s2], $0x80, v4, vm0, $0xb8;
	[tilespmem:$0x10400] =	vst v63  }
0x54: {  	s16 =	simm.s32 $0x5C00  }
0x55: {  	[tilespmem:s16], [sflag:$0x1] =	stream.indirect_vreg.gather [hbm4b:s4+s2], $0x80, v3, vm0, $0xb8;
	[tilespmem:$0x10400] =	vst v63  }
0x56: {  	v3 =	vld [tilespmem:$0x60];
	_ =	sdelay $0x4  }
0x57: {  	v62 =	vshll.u32 v3, $0x1  }
0x58: {  	v3 =	vand.u32 $0x7, v3;
	v4 =	vand.u32 $0xFFFFFFF0, v62  }
0x59: {  	v3 =	vor.u32 v3, v4  }
0x5a: {  	v4 =	vperm.xlane v3, v0;
	_ =	sdelay $0x1  }
0x5b: {  	v3 =	vperm.xlane v3, v2;
	v4 =	vadd.s32 v1, v4;
	_ =	sdelay $0x1  }
0x5c: {  	v3 =	vadd.s32 v1, v3;
	_ =	sdelay $0x1  }
0x5d: {  	s17 =	simm.s32 $0x6400  }
0x5e: {  	[tilespmem:s17], [sflag:$0x1] =	stream.indirect_vreg.gather [hbm4b:s4+s2], $0x80, v4, vm0, $0xb8;
	[tilespmem:$0x10400] =	vst v63  }
0x5f: {  	s18 =	simm.s32 $0x6C00  }
0x60: {  	[tilespmem:s18], [sflag:$0x1] =	stream.indirect_vreg.gather [hbm4b:s4+s2], $0x80, v3, vm0, $0xb8;
	[tilespmem:$0x10400] =	vst v63  }
0x61: {  	v3 =	vld [tilespmem:$0x70];
	_ =	sdelay $0x4  }
0x62: {  	v63 =	vshll.u32 v3, $0x1  }
0x63: {  	v3 =	vand.u32 $0x7, v3;
	v4 =	vand.u32 $0xFFFFFFF0, v63  }
0x64: {  	v3 =	vor.u32 v3, v4  }
0x65: {  	v4 =	vperm.xlane v3, v0;
	_ =	sdelay $0x1  }
0x66: {  	v3 =	vperm.xlane v3, v2;
	v4 =	vadd.s32 v1, v4;
	_ =	sdelay $0x1  }
0x67: {  	v3 =	vadd.s32 v1, v3;
	_ =	sdelay $0x1  }
0x68: {  	s19 =	simm.s32 $0x7400  }
0x69: {  	[tilespmem:s19], [sflag:$0x1] =	stream.indirect_vreg.gather [hbm4b:s4+s2], $0x80, v4, vm0, $0xb8;
	[tilespmem:$0x10400] =	vst v63  }
0x6a: {  	s20 =	simm.s32 $0x7C00  }
0x6b: {  	[tilespmem:s20], [sflag:$0x1] =	stream.indirect_vreg.gather [hbm4b:s4+s2], $0x80, v3, vm0, $0xb8;
	[tilespmem:$0x10400] =	vst v63  }
0x6c: {  	v3 =	vld [tilespmem:$0x80];
	_ =	sdelay $0x4  }
0x6d: {  	v8 =	vshll.u32 v3, $0x1  }
0x6e: {  	v3 =	vand.u32 $0x7, v3;
	v4 =	vand.u32 $0xFFFFFFF0, v8  }
0x6f: {  	v3 =	vor.u32 v3, v4  }
0x70: {  	v4 =	vperm.xlane v3, v0;
	_ =	sdelay $0x1  }
0x71: {  	v3 =	vperm.xlane v3, v2;
	v4 =	vadd.s32 v1, v4;
	_ =	sdelay $0x1  }
0x72: {  	v3 =	vadd.s32 v1, v3;
	_ =	sdelay $0x2  }
0x73: {  	[tilespmem:s23], [sflag:$0x2] =	stream.indirect_vreg.gather [hbm4b:s4+s2], $0x80, v4, vm0, $0xb8;
	[tilespmem:$0x10400] =	vst v63  }
0x74: {  	s21 =	simm.s32 $0x8C00  }
0x75: {  	[tilespmem:s21], [sflag:$0x2] =	stream.indirect_vreg.gather [hbm4b:s4+s2], $0x80, v3, vm0, $0xb8;
	[tilespmem:$0x10400] =	vst v63  }
0x76: {  	v3 =	vld [tilespmem:$0x90];
	_ =	sdelay $0x4  }
0x77: {  	v9 =	vshll.u32 v3, $0x1  }
0x78: {  	v3 =	vand.u32 $0x7, v3;
	v4 =	vand.u32 $0xFFFFFFF0, v9  }
0x79: {  	v3 =	vor.u32 v3, v4  }
0x7a: {  	v4 =	vperm.xlane v3, v0;
	_ =	sdelay $0x1  }
0x7b: {  	v3 =	vperm.xlane v3, v2;
	v4 =	vadd.s32 v1, v4;
	_ =	sdelay $0x1  }
0x7c: {  	v3 =	vadd.s32 v1, v3;
	_ =	sdelay $0x1  }
0x7d: {  	s22 =	simm.s32 $0x9400  }
0x7e: {  	[tilespmem:s22], [sflag:$0x2] =	stream.indirect_vreg.gather [hbm4b:s4+s2], $0x80, v4, vm0, $0xb8;
	[tilespmem:$0x10400] =	vst v63  }
0x7f: {  	s25 =	simm.s32 $0x9C00  }
0x80: {  	[tilespmem:s25], [sflag:$0x2] =	stream.indirect_vreg.gather [hbm4b:s4+s2], $0x80, v3, vm0, $0xb8;
	[tilespmem:$0x10400] =	vst v63  }
0x81: {  	v3 =	vld [tilespmem:$0xA0];
	_ =	sdelay $0x4  }
0x82: {  	v10 =	vshll.u32 v3, $0x1  }
0x83: {  	v3 =	vand.u32 $0x7, v3;
	v4 =	vand.u32 $0xFFFFFFF0, v10  }
0x84: {  	v3 =	vor.u32 v3, v4  }
0x85: {  	v4 =	vperm.xlane v3, v0;
	_ =	sdelay $0x1  }
0x86: {  	v3 =	vperm.xlane v3, v2;
	v4 =	vadd.s32 v1, v4;
	_ =	sdelay $0x1  }
0x87: {  	v3 =	vadd.s32 v1, v3;
	_ =	sdelay $0x1  }
0x88: {  	s26 =	simm.s32 $0xA400  }
0x89: {  	[tilespmem:s26], [sflag:$0x2] =	stream.indirect_vreg.gather [hbm4b:s4+s2], $0x80, v4, vm0, $0xb8;
	[tilespmem:$0x10400] =	vst v63  }
0x8a: {  	s28 =	simm.s32 $0xAC00  }
0x8b: {  	[tilespmem:s28], [sflag:$0x2] =	stream.indirect_vreg.gather [hbm4b:s4+s2], $0x80, v3, vm0, $0xb8;
	[tilespmem:$0x10400] =	vst v63  }
0x8c: {  	v3 =	vld [tilespmem:$0xB0];
	_ =	sdelay $0x4  }
0x8d: {  	v11 =	vshll.u32 v3, $0x1  }
0x8e: {  	v3 =	vand.u32 $0x7, v3;
	v4 =	vand.u32 $0xFFFFFFF0, v11  }
0x8f: {  	v3 =	vor.u32 v3, v4  }
0x90: {  	v4 =	vperm.xlane v3, v0;
	_ =	sdelay $0x1  }
0x91: {  	v3 =	vperm.xlane v3, v2;
	v4 =	vadd.s32 v1, v4;
	_ =	sdelay $0x1  }
0x92: {  	v3 =	vadd.s32 v1, v3;
	_ =	sdelay $0x1  }
0x93: {  	s29 =	simm.s32 $0xB400  }
0x94: {  	[tilespmem:s29], [sflag:$0x2] =	stream.indirect_vreg.gather [hbm4b:s4+s2], $0x80, v4, vm0, $0xb8;
	[tilespmem:$0x10400] =	vst v63  }
0x95: {  	s30 =	simm.s32 $0xBC00  }
0x96: {  	[tilespmem:s30], [sflag:$0x2] =	stream.indirect_vreg.gather [hbm4b:s4+s2], $0x80, v3, vm0, $0xb8;
	[tilespmem:$0x10400] =	vst v63  }
0x97: {  	v3 =	vld [tilespmem:$0xC0];
	_ =	sdelay $0x4  }
0x98: {  	v12 =	vshll.u32 v3, $0x1  }
0x99: {  	v3 =	vand.u32 $0x7, v3;
	v4 =	vand.u32 $0xFFFFFFF0, v12  }
0x9a: {  	v3 =	vor.u32 v3, v4  }
0x9b: {  	v4 =	vperm.xlane v3, v0;
	_ =	sdelay $0x1  }
0x9c: {  	v3 =	vperm.xlane v3, v2;
	v4 =	vadd.s32 v1, v4;
	_ =	sdelay $0x1  }
0x9d: {  	v3 =	vadd.s32 v1, v3;
	_ =	sdelay $0x1  }
0x9e: {  	s31 =	simm.s32 $0xC400  }
0x9f: {  	[tilespmem:s31], [sflag:$0x2] =	stream.indirect_vreg.gather [hbm4b:s4+s2], $0x80, v4, vm0, $0xb8;
	[tilespmem:$0x10400] =	vst v63  }
0xa0: {  	s0 =	simm.s32 $0xCC00  }
0xa1: {  	[tilespmem:s0], [sflag:$0x2] =	stream.indirect_vreg.gather [hbm4b:s4+s2], $0x80, v3, vm0, $0xb8;
	[tilespmem:$0x10400] =	vst v63  }
0xa2: {  	v3 =	vld [tilespmem:$0xD0];
	_ =	sdelay $0x4  }
0xa3: {  	v13 =	vshll.u32 v3, $0x1  }
0xa4: {  	v3 =	vand.u32 $0x7, v3;
	v4 =	vand.u32 $0xFFFFFFF0, v13  }
0xa5: {  	v3 =	vor.u32 v3, v4  }
0xa6: {  	v4 =	vperm.xlane v3, v0;
	_ =	sdelay $0x1  }
0xa7: {  	v3 =	vperm.xlane v3, v2;
	v4 =	vadd.s32 v1, v4;
	_ =	sdelay $0x1  }
0xa8: {  	v3 =	vadd.s32 v1, v3;
	_ =	sdelay $0x1  }
0xa9: {  	s11 =	simm.s32 $0xD400  }
0xaa: {  	[tilespmem:s11], [sflag:$0x2] =	stream.indirect_vreg.gather [hbm4b:s4+s2], $0x80, v4, vm0, $0xb8;
	[tilespmem:$0x10400] =	vst v63  }
0xab: {  	s12 =	simm.s32 $0xDC00  }
0xac: {  	[tilespmem:s12], [sflag:$0x2] =	stream.indirect_vreg.gather [hbm4b:s4+s2], $0x80, v3, vm0, $0xb8;
	[tilespmem:$0x10400] =	vst v63  }
0xad: {  	v3 =	vld [tilespmem:$0xE0];
	_ =	sdelay $0x4  }
0xae: {  	v14 =	vshll.u32 v3, $0x1  }
0xaf: {  	v3 =	vand.u32 $0x7, v3;
	v4 =	vand.u32 $0xFFFFFFF0, v14  }
0xb0: {  	v3 =	vor.u32 v3, v4  }
0xb1: {  	v4 =	vperm.xlane v3, v0;
	_ =	sdelay $0x1  }
0xb2: {  	v3 =	vperm.xlane v3, v2;
	v4 =	vadd.s32 v1, v4;
	_ =	sdelay $0x1  }
0xb3: {  	v3 =	vadd.s32 v1, v3;
	_ =	sdelay $0x1  }
0xb4: {  	s17 =	simm.s32 $0xE400  }
0xb5: {  	[tilespmem:s17], [sflag:$0x2] =	stream.indirect_vreg.gather [hbm4b:s4+s2], $0x80, v4, vm0, $0xb8;
	[tilespmem:$0x10400] =	vst v63  }
0xb6: {  	s18 =	simm.s32 $0xEC00  }
0xb7: {  	[tilespmem:s18], [sflag:$0x2] =	stream.indirect_vreg.gather [hbm4b:s4+s2], $0x80, v3, vm0, $0xb8;
	[tilespmem:$0x10400] =	vst v63  }
0xb8: {  	v3 =	vld [tilespmem:$0xF0];
	_ =	sdelay $0x4  }
0xb9: {  	v15 =	vshll.u32 v3, $0x1  }
0xba: {  	v3 =	vand.u32 $0x7, v3;
	v4 =	vand.u32 $0xFFFFFFF0, v15  }
0xbb: {  	v3 =	vor.u32 v3, v4  }
0xbc: {  	v4 =	vperm.xlane v3, v0;
	_ =	sdelay $0x1  }
0xbd: {  	v3 =	vperm.xlane v3, v2;
	v4 =	vadd.s32 v1, v4;
	_ =	sdelay $0x1  }
0xbe: {  	v3 =	vadd.s32 v1, v3;
	_ =	sdelay $0x1  }
0xbf: {  	s20 =	simm.s32 $0xF400  }
0xc0: {  	[tilespmem:s20], [sflag:$0x2] =	stream.indirect_vreg.gather [hbm4b:s4+s2], $0x80, v4, vm0, $0xb8;
	[tilespmem:$0x10400] =	vst v63  }
0xc1: {  	s26 =	simm.s32 $0xFC00  }
0xc2: {  	[tilespmem:s26], [sflag:$0x2] =	stream.indirect_vreg.gather [hbm4b:s4+s2], $0x80, v3, vm0, $0xb8;
	[tilespmem:$0x10400] =	vst v63  }
0xc3: {  	_ =	swait.ge [sflag:s13], $0x8000  }
0xc4: {  	[sflag:s13] =	ssyncset.done $0x0  }
0xc5: {  	s0 =	rddreg [dreg:$0xb];
	[sflag:s13] =	ssyncadd.s32 $0xFFFF8000  }
0xc6: {  	[hbm4b:s0+s2] =	stream.linear.scatter [tilespmem:s24], [sflag:$0x3], $0x8000, $0x38;
	[tilespmem:$0x10400] =	vst v63  }
0xc7: {  	_ =	swait.ge [sflag:s6], $0x8000  }
0xc8: {  	[sflag:s6] =	ssyncset.done $0x0  }
0xc9: {  	[sflag:s6] =	ssyncadd.s32 $0xFFFF8000  }
0xca: {  	v3 =	vld [tilespmem:$0x100];
	_ =	sdelay $0x4  }
0xcb: {  	v16 =	vshll.u32 v3, $0x1  }
0xcc: {  	v3 =	vand.u32 $0x7, v3;
	v4 =	vand.u32 $0xFFFFFFF0, v16  }
0xcd: {  	v3 =	vor.u32 v3, v4  }
0xce: {  	v4 =	vperm.xlane v3, v0;
	_ =	sdelay $0x1  }
0xcf: {  	v3 =	vperm.xlane v3, v2;
	v4 =	vadd.s32 v1, v4;
	_ =	sdelay $0x1  }
0xd0: {  	v3 =	vadd.s32 v1, v3;
	_ =	sdelay $0x2  }
0xd1: {  	[tilespmem:s24], [sflag:$0x1] =	stream.indirect_vreg.gather [hbm4b:s4+s2], $0x80, v4, vm0, $0xb8;
	[tilespmem:$0x10400] =	vst v63  }
0xd2: {  	s8 =	simm.s32 $0xC00  }
0xd3: {  	[tilespmem:s8], [sflag:$0x1] =	stream.indirect_vreg.gather [hbm4b:s4+s2], $0x80, v3, vm0, $0xb8;
	[tilespmem:$0x10400] =	vst v63  }
0xd4: {  	v3 =	vld [tilespmem:$0x110];
	_ =	sdelay $0x4  }
0xd5: {  	v17 =	vshll.u32 v3, $0x1  }
0xd6: {  	v3 =	vand.u32 $0x7, v3;
	v4 =	vand.u32 $0xFFFFFFF0, v17  }
0xd7: {  	v3 =	vor.u32 v3, v4  }
0xd8: {  	v4 =	vperm.xlane v3, v0;
	_ =	sdelay $0x1  }
0xd9: {  	v3 =	vperm.xlane v3, v2;
	v4 =	vadd.s32 v1, v4;
	_ =	sdelay $0x1  }
0xda: {  	v3 =	vadd.s32 v1, v3;
	_ =	sdelay $0x1  }
0xdb: {  	s3 =	simm.s32 $0x1400  }
0xdc: {  	[tilespmem:s3], [sflag:$0x1] =	stream.indirect_vreg.gather [hbm4b:s4+s2], $0x80, v4, vm0, $0xb8;
	[tilespmem:$0x10400] =	vst v63  }
0xdd: {  	s20 =	simm.s32 $0x1C00  }
0xde: {  	[tilespmem:s20], [sflag:$0x1] =	stream.indirect_vreg.gather [hbm4b:s4+s2], $0x80, v3, vm0, $0xb8;
	[tilespmem:$0x10400] =	vst v63  }
0xdf: {  	v3 =	vld [tilespmem:$0x120];
	_ =	sdelay $0x4  }
0xe0: {  	v18 =	vshll.u32 v3, $0x1  }
0xe1: {  	v3 =	vand.u32 $0x7, v3;
	v4 =	vand.u32 $0xFFFFFFF0, v18  }
0xe2: {  	v3 =	vor.u32 v3, v4  }
0xe3: {  	v4 =	vperm.xlane v3, v0;
	_ =	sdelay $0x1  }
0xe4: {  	v3 =	vperm.xlane v3, v2;
	v4 =	vadd.s32 v1, v4;
	_ =	sdelay $0x1  }
0xe5: {  	v3 =	vadd.s32 v1, v3;
	_ =	sdelay $0x1  }
0xe6: {  	s7 =	simm.s32 $0x2400  }
0xe7: {  	[tilespmem:s7], [sflag:$0x1] =	stream.indirect_vreg.gather [hbm4b:s4+s2], $0x80, v4, vm0, $0xb8;
	[tilespmem:$0x10400] =	vst v63  }
0xe8: {  	s9 =	simm.s32 $0x2C00  }
0xe9: {  	[tilespmem:s9], [sflag:$0x1] =	stream.indirect_vreg.gather [hbm4b:s4+s2], $0x80, v3, vm0, $0xb8;
	[tilespmem:$0x10400] =	vst v63  }
0xea: {  	v3 =	vld [tilespmem:$0x130];
	_ =	sdelay $0x4  }
0xeb: {  	v19 =	vshll.u32 v3, $0x1  }
0xec: {  	v3 =	vand.u32 $0x7, v3;
	v4 =	vand.u32 $0xFFFFFFF0, v19  }
0xed: {  	v3 =	vor.u32 v3, v4  }
0xee: {  	v4 =	vperm.xlane v3, v0;
	_ =	sdelay $0x1  }
0xef: {  	v3 =	vperm.xlane v3, v2;
	v4 =	vadd.s32 v1, v4;
	_ =	sdelay $0x1  }
0xf0: {  	v3 =	vadd.s32 v1, v3;
	_ =	sdelay $0x1  }
0xf1: {  	s8 =	simm.s32 $0x3400  }
0xf2: {  	[tilespmem:s8], [sflag:$0x1] =	stream.indirect_vreg.gather [hbm4b:s4+s2], $0x80, v4, vm0, $0xb8;
	[tilespmem:$0x10400] =	vst v63  }
0xf3: {  	s11 =	simm.s32 $0x3C00  }
0xf4: {  	[tilespmem:s11], [sflag:$0x1] =	stream.indirect_vreg.gather [hbm4b:s4+s2], $0x80, v3, vm0, $0xb8;
	[tilespmem:$0x10400] =	vst v63  }
0xf5: {  	v3 =	vld [tilespmem:$0x140];
	_ =	sdelay $0x4  }
0xf6: {  	v20 =	vshll.u32 v3, $0x1  }
0xf7: {  	v3 =	vand.u32 $0x7, v3;
	v4 =	vand.u32 $0xFFFFFFF0, v20  }
0xf8: {  	v3 =	vor.u32 v3, v4  }
0xf9: {  	v4 =	vperm.xlane v3, v0;
	_ =	sdelay $0x1  }
0xfa: {  	v3 =	vperm.xlane v3, v2;
	v4 =	vadd.s32 v1, v4;
	_ =	sdelay $0x1  }
0xfb: {  	v3 =	vadd.s32 v1, v3;
	_ =	sdelay $0x1  }
0xfc: {  	s9 =	simm.s32 $0x4400  }
0xfd: {  	[tilespmem:s9], [sflag:$0x1] =	stream.indirect_vreg.gather [hbm4b:s4+s2], $0x80, v4, vm0, $0xb8;
	[tilespmem:$0x10400] =	vst v63  }
0xfe: {  	s12 =	simm.s32 $0x4C00  }
0xff: {  	[tilespmem:s12], [sflag:$0x1] =	stream.indirect_vreg.gather [hbm4b:s4+s2], $0x80, v3, vm0, $0xb8;
	[tilespmem:$0x10400] =	vst v63  }
0x100: {  	v3 =	vld [tilespmem:$0x150];
	_ =	sdelay $0x4  }
0x101: {  	v21 =	vshll.u32 v3, $0x1  }
0x102: {  	v3 =	vand.u32 $0x7, v3;
	v4 =	vand.u32 $0xFFFFFFF0, v21  }
0x103: {  	v3 =	vor.u32 v3, v4  }
0x104: {  	v4 =	vperm.xlane v3, v0;
	_ =	sdelay $0x1  }
0x105: {  	v3 =	vperm.xlane v3, v2;
	v4 =	vadd.s32 v1, v4;
	_ =	sdelay $0x1  }
0x106: {  	v3 =	vadd.s32 v1, v3;
	_ =	sdelay $0x1  }
0x107: {  	s10 =	simm.s32 $0x5400  }
0x108: {  	[tilespmem:s10], [sflag:$0x1] =	stream.indirect_vreg.gather [hbm4b:s4+s2], $0x80, v4, vm0, $0xb8;
	[tilespmem:$0x10400] =	vst v63  }
0x109: {  	s16 =	simm.s32 $0x5C00  }
0x10a: {  	[tilespmem:s16], [sflag:$0x1] =	stream.indirect_vreg.gather [hbm4b:s4+s2], $0x80, v3, vm0, $0xb8;
	[tilespmem:$0x10400] =	vst v63  }
0x10b: {  	v3 =	vld [tilespmem:$0x160];
	_ =	sdelay $0x4  }
0x10c: {  	v22 =	vshll.u32 v3, $0x1  }
0x10d: {  	v3 =	vand.u32 $0x7, v3;
	v4 =	vand.u32 $0xFFFFFFF0, v22  }
0x10e: {  	v3 =	vor.u32 v3, v4  }
0x10f: {  	v4 =	vperm.xlane v3, v0;
	_ =	sdelay $0x1  }
0x110: {  	v3 =	vperm.xlane v3, v2;
	v4 =	vadd.s32 v1, v4;
	_ =	sdelay $0x1  }
0x111: {  	v3 =	vadd.s32 v1, v3;
	_ =	sdelay $0x1  }
0x112: {  	s16 =	simm.s32 $0x6400  }
0x113: {  	[tilespmem:s16], [sflag:$0x1] =	stream.indirect_vreg.gather [hbm4b:s4+s2], $0x80, v4, vm0, $0xb8;
	[tilespmem:$0x10400] =	vst v63  }
0x114: {  	s17 =	simm.s32 $0x6C00  }
0x115: {  	[tilespmem:s17], [sflag:$0x1] =	stream.indirect_vreg.gather [hbm4b:s4+s2], $0x80, v3, vm0, $0xb8;
	[tilespmem:$0x10400] =	vst v63  }
0x116: {  	v3 =	vld [tilespmem:$0x170];
	_ =	sdelay $0x4  }
0x117: {  	v23 =	vshll.u32 v3, $0x1  }
0x118: {  	v3 =	vand.u32 $0x7, v3;
	v4 =	vand.u32 $0xFFFFFFF0, v23  }
0x119: {  	v3 =	vor.u32 v3, v4  }
0x11a: {  	v4 =	vperm.xlane v3, v0;
	_ =	sdelay $0x1  }
0x11b: {  	v3 =	vperm.xlane v3, v2;
	v4 =	vadd.s32 v1, v4;
	_ =	sdelay $0x1  }
0x11c: {  	v3 =	vadd.s32 v1, v3;
	_ =	sdelay $0x1  }
0x11d: {  	s18 =	simm.s32 $0x7400  }
0x11e: {  	[tilespmem:s18], [sflag:$0x1] =	stream.indirect_vreg.gather [hbm4b:s4+s2], $0x80, v4, vm0, $0xb8;
	[tilespmem:$0x10400] =	vst v63  }
0x11f: {  	s10 =	simm.s32 $0x7C00  }
0x120: {  	[tilespmem:s10], [sflag:$0x1] =	stream.indirect_vreg.gather [hbm4b:s4+s2], $0x80, v3, vm0, $0xb8;
	[tilespmem:$0x10400] =	vst v63  }
0x121: {  	_ =	swait.ge [sflag:s14], $0x8000  }
0x122: {  	[sflag:s14] =	ssyncset.done $0x0  }
0x123: {  	s7 =	rddreg [dreg:$0x4];
	[sflag:s14] =	ssyncadd.s32 $0xFFFF8000  }
0x124: {  	[hbm4b:s7+s2] =	stream.linear.scatter [tilespmem:s23], [sflag:$0x3], $0x8000, $0x38;
	[tilespmem:$0x10400] =	vst v63  }
0x125: {  	_ =	swait.ge [sflag:s6], $0x8000  }
0x126: {  	[sflag:s6] =	ssyncset.done $0x0  }
0x127: {  	[sflag:s6] =	ssyncadd.s32 $0xFFFF8000  }
0x128: {  	v3 =	vld [tilespmem:$0x180];
	_ =	sdelay $0x4  }
0x129: {  	v24 =	vshll.u32 v3, $0x1  }
0x12a: {  	v3 =	vand.u32 $0x7, v3;
	v4 =	vand.u32 $0xFFFFFFF0, v24  }
0x12b: {  	v3 =	vor.u32 v3, v4  }
0x12c: {  	v4 =	vperm.xlane v3, v0;
	_ =	sdelay $0x1  }
0x12d: {  	v3 =	vperm.xlane v3, v2;
	v4 =	vadd.s32 v1, v4;
	_ =	sdelay $0x1  }
0x12e: {  	v3 =	vadd.s32 v1, v3;
	_ =	sdelay $0x2  }
0x12f: {  	[tilespmem:s23], [sflag:$0x2] =	stream.indirect_vreg.gather [hbm4b:s4+s2], $0x80, v4, vm0, $0xb8;
	[tilespmem:$0x10400] =	vst v63  }
0x130: {  	s1 =	simm.s32 $0x8C00  }
0x131: {  	[tilespmem:s1], [sflag:$0x2] =	stream.indirect_vreg.gather [hbm4b:s4+s2], $0x80, v3, vm0, $0xb8;
	[tilespmem:$0x10400] =	vst v63  }
0x132: {  	v3 =	vld [tilespmem:$0x190];
	_ =	sdelay $0x4  }
0x133: {  	v25 =	vshll.u32 v3, $0x1  }
0x134: {  	v3 =	vand.u32 $0x7, v3;
	v4 =	vand.u32 $0xFFFFFFF0, v25  }
0x135: {  	v3 =	vor.u32 v3, v4  }
0x136: {  	v4 =	vperm.xlane v3, v0;
	_ =	sdelay $0x1  }
0x137: {  	v3 =	vperm.xlane v3, v2;
	v4 =	vadd.s32 v1, v4;
	_ =	sdelay $0x1  }
0x138: {  	v3 =	vadd.s32 v1, v3;
	_ =	sdelay $0x1  }
0x139: {  	s0 =	simm.s32 $0x9400  }
0x13a: {  	[tilespmem:s0], [sflag:$0x2] =	stream.indirect_vreg.gather [hbm4b:s4+s2], $0x80, v4, vm0, $0xb8;
	[tilespmem:$0x10400] =	vst v63  }
0x13b: {  	s3 =	simm.s32 $0x9C00  }
0x13c: {  	[tilespmem:s3], [sflag:$0x2] =	stream.indirect_vreg.gather [hbm4b:s4+s2], $0x80, v3, vm0, $0xb8;
	[tilespmem:$0x10400] =	vst v63  }
0x13d: {  	v3 =	vld [tilespmem:$0x1A0];
	_ =	sdelay $0x4  }
0x13e: {  	v26 =	vshll.u32 v3, $0x1  }
0x13f: {  	v3 =	vand.u32 $0x7, v3;
	v4 =	vand.u32 $0xFFFFFFF0, v26  }
0x140: {  	v3 =	vor.u32 v3, v4  }
0x141: {  	v4 =	vperm.xlane v3, v0;
	_ =	sdelay $0x1  }
0x142: {  	v3 =	vperm.xlane v3, v2;
	v4 =	vadd.s32 v1, v4;
	_ =	sdelay $0x1  }
0x143: {  	v3 =	vadd.s32 v1, v3;
	_ =	sdelay $0x1  }
0x144: {  	s1 =	simm.s32 $0xA400  }
0x145: {  	[tilespmem:s1], [sflag:$0x2] =	stream.indirect_vreg.gather [hbm4b:s4+s2], $0x80, v4, vm0, $0xb8;
	[tilespmem:$0x10400] =	vst v63  }
0x146: {  	s7 =	simm.s32 $0xAC00  }
0x147: {  	[tilespmem:s7], [sflag:$0x2] =	stream.indirect_vreg.gather [hbm4b:s4+s2], $0x80, v3, vm0, $0xb8;
	[tilespmem:$0x10400] =	vst v63  }
0x148: {  	v3 =	vld [tilespmem:$0x1B0];
	_ =	sdelay $0x4  }
0x149: {  	v27 =	vshll.u32 v3, $0x1  }
0x14a: {  	v3 =	vand.u32 $0x7, v3;
	v4 =	vand.u32 $0xFFFFFFF0, v27  }
0x14b: {  	v3 =	vor.u32 v3, v4  }
0x14c: {  	v4 =	vperm.xlane v3, v0;
	_ =	sdelay $0x1  }
0x14d: {  	v3 =	vperm.xlane v3, v2;
	v4 =	vadd.s32 v1, v4;
	_ =	sdelay $0x1  }
0x14e: {  	v3 =	vadd.s32 v1, v3;
	_ =	sdelay $0x1  }
0x14f: {  	s28 =	simm.s32 $0xB400  }
0x150: {  	[tilespmem:s28], [sflag:$0x2] =	stream.indirect_vreg.gather [hbm4b:s4+s2], $0x80, v4, vm0, $0xb8;
	[tilespmem:$0x10400] =	vst v63  }
0x151: {  	s21 =	simm.s32 $0xBC00  }
0x152: {  	[tilespmem:s21], [sflag:$0x2] =	stream.indirect_vreg.gather [hbm4b:s4+s2], $0x80, v3, vm0, $0xb8;
	[tilespmem:$0x10400] =	vst v63  }
0x153: {  	v3 =	vld [tilespmem:$0x1C0];
	_ =	sdelay $0x4  }
0x154: {  	v28 =	vshll.u32 v3, $0x1  }
0x155: {  	v3 =	vand.u32 $0x7, v3;
	v4 =	vand.u32 $0xFFFFFFF0, v28  }
0x156: {  	v3 =	vor.u32 v3, v4  }
0x157: {  	v4 =	vperm.xlane v3, v0;
	_ =	sdelay $0x1  }
0x158: {  	v3 =	vperm.xlane v3, v2;
	v4 =	vadd.s32 v1, v4;
	_ =	sdelay $0x1  }
0x159: {  	v3 =	vadd.s32 v1, v3;
	_ =	sdelay $0x1  }
0x15a: {  	s31 =	simm.s32 $0xC400  }
0x15b: {  	[tilespmem:s31], [sflag:$0x2] =	stream.indirect_vreg.gather [hbm4b:s4+s2], $0x80, v4, vm0, $0xb8;
	[tilespmem:$0x10400] =	vst v63  }
0x15c: {  	s19 =	simm.s32 $0xCC00  }
0x15d: {  	[tilespmem:s19], [sflag:$0x2] =	stream.indirect_vreg.gather [hbm4b:s4+s2], $0x80, v3, vm0, $0xb8;
	[tilespmem:$0x10400] =	vst v63  }
0x15e: {  	v3 =	vld [tilespmem:$0x1D0];
	_ =	sdelay $0x4  }
0x15f: {  	v29 =	vshll.u32 v3, $0x1  }
0x160: {  	v3 =	vand.u32 $0x7, v3;
	v4 =	vand.u32 $0xFFFFFFF0, v29  }
0x161: {  	v3 =	vor.u32 v3, v4  }
0x162: {  	v4 =	vperm.xlane v3, v0;
	_ =	sdelay $0x1  }
0x163: {  	v3 =	vperm.xlane v3, v2;
	v4 =	vadd.s32 v1, v4;
	_ =	sdelay $0x1  }
0x164: {  	v3 =	vadd.s32 v1, v3;
	_ =	sdelay $0x1  }
0x165: {  	s31 =	simm.s32 $0xD400  }
0x166: {  	[tilespmem:s31], [sflag:$0x2] =	stream.indirect_vreg.gather [hbm4b:s4+s2], $0x80, v4, vm0, $0xb8;
	[tilespmem:$0x10400] =	vst v63  }
0x167: {  	s22 =	simm.s32 $0xDC00  }
0x168: {  	[tilespmem:s22], [sflag:$0x2] =	stream.indirect_vreg.gather [hbm4b:s4+s2], $0x80, v3, vm0, $0xb8;
	[tilespmem:$0x10400] =	vst v63  }
0x169: {  	v3 =	vld [tilespmem:$0x1E0];
	_ =	sdelay $0x4  }
0x16a: {  	v30 =	vshll.u32 v3, $0x1  }
0x16b: {  	v3 =	vand.u32 $0x7, v3;
	v4 =	vand.u32 $0xFFFFFFF0, v30  }
0x16c: {  	v3 =	vor.u32 v3, v4  }
0x16d: {  	v4 =	vperm.xlane v3, v0;
	_ =	sdelay $0x1  }
0x16e: {  	v3 =	vperm.xlane v3, v2;
	v4 =	vadd.s32 v1, v4;
	_ =	sdelay $0x1  }
0x16f: {  	v3 =	vadd.s32 v1, v3;
	_ =	sdelay $0x1  }
0x170: {  	s29 =	simm.s32 $0xE400  }
0x171: {  	[tilespmem:s29], [sflag:$0x2] =	stream.indirect_vreg.gather [hbm4b:s4+s2], $0x80, v4, vm0, $0xb8;
	[tilespmem:$0x10400] =	vst v63  }
0x172: {  	s25 =	simm.s32 $0xEC00  }
0x173: {  	[tilespmem:s25], [sflag:$0x2] =	stream.indirect_vreg.gather [hbm4b:s4+s2], $0x80, v3, vm0, $0xb8;
	[tilespmem:$0x10400] =	vst v63  }
0x174: {  	v3 =	vld [tilespmem:$0x1F0];
	_ =	sdelay $0x4  }
0x175: {  	v31 =	vshll.u32 v3, $0x1  }
0x176: {  	v3 =	vand.u32 $0x7, v3;
	v4 =	vand.u32 $0xFFFFFFF0, v31  }
0x177: {  	v3 =	vor.u32 v3, v4  }
0x178: {  	v4 =	vperm.xlane v3, v0;
	_ =	sdelay $0x1  }
0x179: {  	v3 =	vperm.xlane v3, v2;
	v4 =	vadd.s32 v1, v4;
	_ =	sdelay $0x1  }
0x17a: {  	v3 =	vadd.s32 v1, v3;
	_ =	sdelay $0x1  }
0x17b: {  	s30 =	simm.s32 $0xF400  }
0x17c: {  	[tilespmem:s30], [sflag:$0x2] =	stream.indirect_vreg.gather [hbm4b:s4+s2], $0x80, v4, vm0, $0xb8;
	[tilespmem:$0x10400] =	vst v63  }
0x17d: {  	s26 =	simm.s32 $0xFC00  }
0x17e: {  	[tilespmem:s26], [sflag:$0x2] =	stream.indirect_vreg.gather [hbm4b:s4+s2], $0x80, v3, vm0, $0xb8;
	[tilespmem:$0x10400] =	vst v63  }
0x17f: {  	_ =	swait.ge [sflag:s13], $0x8000  }
0x180: {  	[sflag:s13] =	ssyncset.done $0x0  }
0x181: {  	s29 =	rddreg [dreg:$0x5];
	[sflag:s13] =	ssyncadd.s32 $0xFFFF8000  }
0x182: {  	[hbm4b:s29+s2] =	stream.linear.scatter [tilespmem:s24], [sflag:$0x3], $0x8000, $0x38;
	[tilespmem:$0x10400] =	vst v63  }
0x183: {  	_ =	swait.ge [sflag:s6], $0x8000  }
0x184: {  	[sflag:s6] =	ssyncset.done $0x0  }
0x185: {  	[sflag:s6] =	ssyncadd.s32 $0xFFFF8000  }
0x186: {  	v3 =	vld [tilespmem:$0x200];
	_ =	sdelay $0x4  }
0x187: {  	v32 =	vshll.u32 v3, $0x1  }
0x188: {  	v3 =	vand.u32 $0x7, v3;
	v4 =	vand.u32 $0xFFFFFFF0, v32  }
0x189: {  	v3 =	vor.u32 v3, v4  }
0x18a: {  	v4 =	vperm.xlane v3, v0;
	_ =	sdelay $0x1  }
0x18b: {  	v3 =	vperm.xlane v3, v2;
	v4 =	vadd.s32 v1, v4;
	_ =	sdelay $0x1  }
0x18c: {  	v3 =	vadd.s32 v1, v3;
	_ =	sdelay $0x2  }
0x18d: {  	[tilespmem:s24], [sflag:$0x1] =	stream.indirect_vreg.gather [hbm4b:s4+s2], $0x80, v4, vm0, $0xb8;
	[tilespmem:$0x10400] =	vst v63  }
0x18e: {  	s25 =	simm.s32 $0xC00  }
0x18f: {  	[tilespmem:s25], [sflag:$0x1] =	stream.indirect_vreg.gather [hbm4b:s4+s2], $0x80, v3, vm0, $0xb8;
	[tilespmem:$0x10400] =	vst v63  }
0x190: {  	v3 =	vld [tilespmem:$0x210];
	_ =	sdelay $0x4  }
0x191: {  	v33 =	vshll.u32 v3, $0x1  }
0x192: {  	v3 =	vand.u32 $0x7, v3;
	v4 =	vand.u32 $0xFFFFFFF0, v33  }
0x193: {  	v3 =	vor.u32 v3, v4  }
0x194: {  	v4 =	vperm.xlane v3, v0;
	_ =	sdelay $0x1  }
0x195: {  	v3 =	vperm.xlane v3, v2;
	v4 =	vadd.s32 v1, v4;
	_ =	sdelay $0x1  }
0x196: {  	v3 =	vadd.s32 v1, v3;
	_ =	sdelay $0x1  }
0x197: {  	s26 =	simm.s32 $0x1400  }
0x198: {  	[tilespmem:s26], [sflag:$0x1] =	stream.indirect_vreg.gather [hbm4b:s4+s2], $0x80, v4, vm0, $0xb8;
	[tilespmem:$0x10400] =	vst v63  }
0x199: {  	_ = 	snop  }
0x19a: {  	[tilespmem:s20], [sflag:$0x1] =	stream.indirect_vreg.gather [hbm4b:s4+s2], $0x80, v3, vm0, $0xb8;
	[tilespmem:$0x10400] =	vst v63  }
0x19b: {  	v3 =	vld [tilespmem:$0x220];
	_ =	sdelay $0x4  }
0x19c: {  	v34 =	vshll.u32 v3, $0x1  }
0x19d: {  	v3 =	vand.u32 $0x7, v3;
	v4 =	vand.u32 $0xFFFFFFF0, v34  }
0x19e: {  	v3 =	vor.u32 v3, v4  }
0x19f: {  	v4 =	vperm.xlane v3, v0;
	_ =	sdelay $0x1  }
0x1a0: {  	v3 =	vperm.xlane v3, v2;
	v4 =	vadd.s32 v1, v4;
	_ =	sdelay $0x1  }
0x1a1: {  	v3 =	vadd.s32 v1, v3;
	_ =	sdelay $0x1  }
0x1a2: {  	s29 =	simm.s32 $0x2400  }
0x1a3: {  	[tilespmem:s29], [sflag:$0x1] =	stream.indirect_vreg.gather [hbm4b:s4+s2], $0x80, v4, vm0, $0xb8;
	[tilespmem:$0x10400] =	vst v63  }
0x1a4: {  	s25 =	simm.s32 $0x2C00  }
0x1a5: {  	[tilespmem:s25], [sflag:$0x1] =	stream.indirect_vreg.gather [hbm4b:s4+s2], $0x80, v3, vm0, $0xb8;
	[tilespmem:$0x10400] =	vst v63  }
0x1a6: {  	v3 =	vld [tilespmem:$0x230];
	_ =	sdelay $0x4  }
0x1a7: {  	v35 =	vshll.u32 v3, $0x1  }
0x1a8: {  	v3 =	vand.u32 $0x7, v3;
	v4 =	vand.u32 $0xFFFFFFF0, v35  }
0x1a9: {  	v3 =	vor.u32 v3, v4  }
0x1aa: {  	v4 =	vperm.xlane v3, v0;
	_ =	sdelay $0x1  }
0x1ab: {  	v3 =	vperm.xlane v3, v2;
	v4 =	vadd.s32 v1, v4;
	_ =	sdelay $0x1  }
0x1ac: {  	v3 =	vadd.s32 v1, v3;
	_ =	sdelay $0x2  }
0x1ad: {  	[tilespmem:s8], [sflag:$0x1] =	stream.indirect_vreg.gather [hbm4b:s4+s2], $0x80, v4, vm0, $0xb8;
	[tilespmem:$0x10400] =	vst v63  }
0x1ae: {  	_ = 	snop  }
0x1af: {  	[tilespmem:s11], [sflag:$0x1] =	stream.indirect_vreg.gather [hbm4b:s4+s2], $0x80, v3, vm0, $0xb8;
	[tilespmem:$0x10400] =	vst v63  }
0x1b0: {  	v3 =	vld [tilespmem:$0x240];
	_ =	sdelay $0x4  }
0x1b1: {  	v36 =	vshll.u32 v3, $0x1  }
0x1b2: {  	v3 =	vand.u32 $0x7, v3;
	v4 =	vand.u32 $0xFFFFFFF0, v36  }
0x1b3: {  	v3 =	vor.u32 v3, v4  }
0x1b4: {  	v4 =	vperm.xlane v3, v0;
	_ =	sdelay $0x1  }
0x1b5: {  	v3 =	vperm.xlane v3, v2;
	v4 =	vadd.s32 v1, v4;
	_ =	sdelay $0x1  }
0x1b6: {  	v3 =	vadd.s32 v1, v3;
	_ =	sdelay $0x2  }
0x1b7: {  	[tilespmem:s9], [sflag:$0x1] =	stream.indirect_vreg.gather [hbm4b:s4+s2], $0x80, v4, vm0, $0xb8;
	[tilespmem:$0x10400] =	vst v63  }
0x1b8: {  	_ = 	snop  }
0x1b9: {  	[tilespmem:s12], [sflag:$0x1] =	stream.indirect_vreg.gather [hbm4b:s4+s2], $0x80, v3, vm0, $0xb8;
	[tilespmem:$0x10400] =	vst v63  }
0x1ba: {  	v3 =	vld [tilespmem:$0x250];
	_ =	sdelay $0x4  }
0x1bb: {  	v37 =	vshll.u32 v3, $0x1  }
0x1bc: {  	v3 =	vand.u32 $0x7, v3;
	v4 =	vand.u32 $0xFFFFFFF0, v37  }
0x1bd: {  	v3 =	vor.u32 v3, v4  }
0x1be: {  	v4 =	vperm.xlane v3, v0;
	_ =	sdelay $0x1  }
0x1bf: {  	v3 =	vperm.xlane v3, v2;
	v4 =	vadd.s32 v1, v4;
	_ =	sdelay $0x1  }
0x1c0: {  	v3 =	vadd.s32 v1, v3;
	_ =	sdelay $0x1  }
0x1c1: {  	s26 =	simm.s32 $0x5400  }
0x1c2: {  	[tilespmem:s26], [sflag:$0x1] =	stream.indirect_vreg.gather [hbm4b:s4+s2], $0x80, v4, vm0, $0xb8;
	[tilespmem:$0x10400] =	vst v63  }
0x1c3: {  	s29 =	simm.s32 $0x5C00  }
0x1c4: {  	[tilespmem:s29], [sflag:$0x1] =	stream.indirect_vreg.gather [hbm4b:s4+s2], $0x80, v3, vm0, $0xb8;
	[tilespmem:$0x10400] =	vst v63  }
0x1c5: {  	v3 =	vld [tilespmem:$0x260];
	_ =	sdelay $0x4  }
0x1c6: {  	v38 =	vshll.u32 v3, $0x1  }
0x1c7: {  	v3 =	vand.u32 $0x7, v3;
	v4 =	vand.u32 $0xFFFFFFF0, v38  }
0x1c8: {  	v3 =	vor.u32 v3, v4  }
0x1c9: {  	v4 =	vperm.xlane v3, v0;
	_ =	sdelay $0x1  }
0x1ca: {  	v3 =	vperm.xlane v3, v2;
	v4 =	vadd.s32 v1, v4;
	_ =	sdelay $0x1  }
0x1cb: {  	v3 =	vadd.s32 v1, v3;
	_ =	sdelay $0x2  }
0x1cc: {  	[tilespmem:s16], [sflag:$0x1] =	stream.indirect_vreg.gather [hbm4b:s4+s2], $0x80, v4, vm0, $0xb8;
	[tilespmem:$0x10400] =	vst v63  }
0x1cd: {  	_ = 	snop  }
0x1ce: {  	[tilespmem:s17], [sflag:$0x1] =	stream.indirect_vreg.gather [hbm4b:s4+s2], $0x80, v3, vm0, $0xb8;
	[tilespmem:$0x10400] =	vst v63  }
0x1cf: {  	v3 =	vld [tilespmem:$0x270];
	_ =	sdelay $0x4  }
0x1d0: {  	v39 =	vshll.u32 v3, $0x1  }
0x1d1: {  	v3 =	vand.u32 $0x7, v3;
	v4 =	vand.u32 $0xFFFFFFF0, v39  }
0x1d2: {  	v3 =	vor.u32 v3, v4  }
0x1d3: {  	v4 =	vperm.xlane v3, v0;
	_ =	sdelay $0x1  }
0x1d4: {  	v3 =	vperm.xlane v3, v2;
	v4 =	vadd.s32 v1, v4;
	_ =	sdelay $0x1  }
0x1d5: {  	v3 =	vadd.s32 v1, v3;
	_ =	sdelay $0x2  }
0x1d6: {  	[tilespmem:s18], [sflag:$0x1] =	stream.indirect_vreg.gather [hbm4b:s4+s2], $0x80, v4, vm0, $0xb8;
	[tilespmem:$0x10400] =	vst v63  }
0x1d7: {  	_ = 	snop  }
0x1d8: {  	[tilespmem:s10], [sflag:$0x1] =	stream.indirect_vreg.gather [hbm4b:s4+s2], $0x80, v3, vm0, $0xb8;
	[tilespmem:$0x10400] =	vst v63  }
0x1d9: {  	_ =	swait.ge [sflag:s14], $0x8000  }
0x1da: {  	[sflag:s14] =	ssyncset.done $0x0  }
0x1db: {  	s25 =	rddreg [dreg:$0x6];
	[sflag:s14] =	ssyncadd.s32 $0xFFFF8000  }
0x1dc: {  	[hbm4b:s25+s2] =	stream.linear.scatter [tilespmem:s23], [sflag:$0x3], $0x8000, $0x38;
	[tilespmem:$0x10400] =	vst v63  }
0x1dd: {  	_ =	swait.ge [sflag:s6], $0x8000  }
0x1de: {  	[sflag:s6] =	ssyncset.done $0x0  }
0x1df: {  	[sflag:s6] =	ssyncadd.s32 $0xFFFF8000  }
0x1e0: {  	v3 =	vld [tilespmem:$0x280];
	_ =	sdelay $0x4  }
0x1e1: {  	v40 =	vshll.u32 v3, $0x1  }
0x1e2: {  	v3 =	vand.u32 $0x7, v3;
	v4 =	vand.u32 $0xFFFFFFF0, v40  }
0x1e3: {  	v3 =	vor.u32 v3, v4  }
0x1e4: {  	v4 =	vperm.xlane v3, v0;
	_ =	sdelay $0x1  }
0x1e5: {  	v3 =	vperm.xlane v3, v2;
	v4 =	vadd.s32 v1, v4;
	_ =	sdelay $0x1  }
0x1e6: {  	v3 =	vadd.s32 v1, v3;
	_ =	sdelay $0x2  }
0x1e7: {  	[tilespmem:s23], [sflag:$0x2] =	stream.indirect_vreg.gather [hbm4b:s4+s2], $0x80, v4, vm0, $0xb8;
	[tilespmem:$0x10400] =	vst v63  }
0x1e8: {  	s26 =	simm.s32 $0x8C00  }
0x1e9: {  	[tilespmem:s26], [sflag:$0x2] =	stream.indirect_vreg.gather [hbm4b:s4+s2], $0x80, v3, vm0, $0xb8;
	[tilespmem:$0x10400] =	vst v63  }
0x1ea: {  	v3 =	vld [tilespmem:$0x290];
	_ =	sdelay $0x4  }
0x1eb: {  	v41 =	vshll.u32 v3, $0x1  }
0x1ec: {  	v3 =	vand.u32 $0x7, v3;
	v4 =	vand.u32 $0xFFFFFFF0, v41  }
0x1ed: {  	v3 =	vor.u32 v3, v4  }
0x1ee: {  	v4 =	vperm.xlane v3, v0;
	_ =	sdelay $0x1  }
0x1ef: {  	v3 =	vperm.xlane v3, v2;
	v4 =	vadd.s32 v1, v4;
	_ =	sdelay $0x1  }
0x1f0: {  	v3 =	vadd.s32 v1, v3;
	_ =	sdelay $0x2  }
0x1f1: {  	[tilespmem:s0], [sflag:$0x2] =	stream.indirect_vreg.gather [hbm4b:s4+s2], $0x80, v4, vm0, $0xb8;
	[tilespmem:$0x10400] =	vst v63  }
0x1f2: {  	_ = 	snop  }
0x1f3: {  	[tilespmem:s3], [sflag:$0x2] =	stream.indirect_vreg.gather [hbm4b:s4+s2], $0x80, v3, vm0, $0xb8;
	[tilespmem:$0x10400] =	vst v63  }
0x1f4: {  	v3 =	vld [tilespmem:$0x2A0];
	_ =	sdelay $0x4  }
0x1f5: {  	v42 =	vshll.u32 v3, $0x1  }
0x1f6: {  	v3 =	vand.u32 $0x7, v3;
	v4 =	vand.u32 $0xFFFFFFF0, v42  }
0x1f7: {  	v3 =	vor.u32 v3, v4  }
0x1f8: {  	v4 =	vperm.xlane v3, v0;
	_ =	sdelay $0x1  }
0x1f9: {  	v3 =	vperm.xlane v3, v2;
	v4 =	vadd.s32 v1, v4;
	_ =	sdelay $0x1  }
0x1fa: {  	v3 =	vadd.s32 v1, v3;
	_ =	sdelay $0x2  }
0x1fb: {  	[tilespmem:s1], [sflag:$0x2] =	stream.indirect_vreg.gather [hbm4b:s4+s2], $0x80, v4, vm0, $0xb8;
	[tilespmem:$0x10400] =	vst v63  }
0x1fc: {  	_ = 	snop  }
0x1fd: {  	[tilespmem:s7], [sflag:$0x2] =	stream.indirect_vreg.gather [hbm4b:s4+s2], $0x80, v3, vm0, $0xb8;
	[tilespmem:$0x10400] =	vst v63  }
0x1fe: {  	v3 =	vld [tilespmem:$0x2B0];
	_ =	sdelay $0x4  }
0x1ff: {  	v43 =	vshll.u32 v3, $0x1  }
0x200: {  	v3 =	vand.u32 $0x7, v3;
	v4 =	vand.u32 $0xFFFFFFF0, v43  }
0x201: {  	v3 =	vor.u32 v3, v4  }
0x202: {  	v4 =	vperm.xlane v3, v0;
	_ =	sdelay $0x1  }
0x203: {  	v3 =	vperm.xlane v3, v2;
	v4 =	vadd.s32 v1, v4;
	_ =	sdelay $0x1  }
0x204: {  	v3 =	vadd.s32 v1, v3;
	_ =	sdelay $0x1  }
0x205: {  	s28 =	simm.s32 $0xB400  }
0x206: {  	[tilespmem:s28], [sflag:$0x2] =	stream.indirect_vreg.gather [hbm4b:s4+s2], $0x80, v4, vm0, $0xb8;
	[tilespmem:$0x10400] =	vst v63  }
0x207: {  	s29 =	simm.s32 $0xBC00  }
0x208: {  	[tilespmem:s29], [sflag:$0x2] =	stream.indirect_vreg.gather [hbm4b:s4+s2], $0x80, v3, vm0, $0xb8;
	[tilespmem:$0x10400] =	vst v63  }
0x209: {  	v3 =	vld [tilespmem:$0x2C0];
	_ =	sdelay $0x4  }
0x20a: {  	v44 =	vshll.u32 v3, $0x1  }
0x20b: {  	v3 =	vand.u32 $0x7, v3;
	v4 =	vand.u32 $0xFFFFFFF0, v44  }
0x20c: {  	v3 =	vor.u32 v3, v4  }
0x20d: {  	v4 =	vperm.xlane v3, v0;
	_ =	sdelay $0x1  }
0x20e: {  	v3 =	vperm.xlane v3, v2;
	v4 =	vadd.s32 v1, v4;
	_ =	sdelay $0x1  }
0x20f: {  	v3 =	vadd.s32 v1, v3;
	_ =	sdelay $0x1  }
0x210: {  	s21 =	simm.s32 $0xC400  }
0x211: {  	[tilespmem:s21], [sflag:$0x2] =	stream.indirect_vreg.gather [hbm4b:s4+s2], $0x80, v4, vm0, $0xb8;
	[tilespmem:$0x10400] =	vst v63  }
0x212: {  	s19 =	simm.s32 $0xCC00  }
0x213: {  	[tilespmem:s19], [sflag:$0x2] =	stream.indirect_vreg.gather [hbm4b:s4+s2], $0x80, v3, vm0, $0xb8;
	[tilespmem:$0x10400] =	vst v63  }
0x214: {  	v3 =	vld [tilespmem:$0x2D0];
	_ =	sdelay $0x4  }
0x215: {  	v45 =	vshll.u32 v3, $0x1  }
0x216: {  	v3 =	vand.u32 $0x7, v3;
	v4 =	vand.u32 $0xFFFFFFF0, v45  }
0x217: {  	v3 =	vor.u32 v3, v4  }
0x218: {  	v4 =	vperm.xlane v3, v0;
	_ =	sdelay $0x1  }
0x219: {  	v3 =	vperm.xlane v3, v2;
	v4 =	vadd.s32 v1, v4;
	_ =	sdelay $0x1  }
0x21a: {  	v3 =	vadd.s32 v1, v3;
	_ =	sdelay $0x1  }
0x21b: {  	s19 =	simm.s32 $0xD400  }
0x21c: {  	[tilespmem:s19], [sflag:$0x2] =	stream.indirect_vreg.gather [hbm4b:s4+s2], $0x80, v4, vm0, $0xb8;
	[tilespmem:$0x10400] =	vst v63  }
0x21d: {  	s31 =	simm.s32 $0xDC00  }
0x21e: {  	[tilespmem:s31], [sflag:$0x2] =	stream.indirect_vreg.gather [hbm4b:s4+s2], $0x80, v3, vm0, $0xb8;
	[tilespmem:$0x10400] =	vst v63  }
0x21f: {  	v3 =	vld [tilespmem:$0x2E0];
	_ =	sdelay $0x4  }
0x220: {  	v46 =	vshll.u32 v3, $0x1  }
0x221: {  	v3 =	vand.u32 $0x7, v3;
	v4 =	vand.u32 $0xFFFFFFF0, v46  }
0x222: {  	v3 =	vor.u32 v3, v4  }
0x223: {  	v4 =	vperm.xlane v3, v0;
	_ =	sdelay $0x1  }
0x224: {  	v3 =	vperm.xlane v3, v2;
	v4 =	vadd.s32 v1, v4;
	_ =	sdelay $0x1  }
0x225: {  	v3 =	vadd.s32 v1, v3;
	_ =	sdelay $0x1  }
0x226: {  	s22 =	simm.s32 $0xE400  }
0x227: {  	[tilespmem:s22], [sflag:$0x2] =	stream.indirect_vreg.gather [hbm4b:s4+s2], $0x80, v4, vm0, $0xb8;
	[tilespmem:$0x10400] =	vst v63  }
0x228: {  	s22 =	simm.s32 $0xEC00  }
0x229: {  	[tilespmem:s22], [sflag:$0x2] =	stream.indirect_vreg.gather [hbm4b:s4+s2], $0x80, v3, vm0, $0xb8;
	[tilespmem:$0x10400] =	vst v63  }
0x22a: {  	v3 =	vld [tilespmem:$0x2F0];
	_ =	sdelay $0x4  }
0x22b: {  	v47 =	vshll.u32 v3, $0x1  }
0x22c: {  	v3 =	vand.u32 $0x7, v3;
	v4 =	vand.u32 $0xFFFFFFF0, v47  }
0x22d: {  	v3 =	vor.u32 v3, v4  }
0x22e: {  	v4 =	vperm.xlane v3, v0;
	_ =	sdelay $0x1  }
0x22f: {  	v3 =	vperm.xlane v3, v2;
	v4 =	vadd.s32 v1, v4;
	_ =	sdelay $0x1  }
0x230: {  	v3 =	vadd.s32 v1, v3;
	_ =	sdelay $0x1  }
0x231: {  	s31 =	simm.s32 $0xF400  }
0x232: {  	[tilespmem:s31], [sflag:$0x2] =	stream.indirect_vreg.gather [hbm4b:s4+s2], $0x80, v4, vm0, $0xb8;
	[tilespmem:$0x10400] =	vst v63  }
0x233: {  	s30 =	simm.s32 $0xFC00  }
0x234: {  	[tilespmem:s30], [sflag:$0x2] =	stream.indirect_vreg.gather [hbm4b:s4+s2], $0x80, v3, vm0, $0xb8;
	[tilespmem:$0x10400] =	vst v63  }
0x235: {  	_ =	swait.ge [sflag:s13], $0x8000  }
0x236: {  	[sflag:s13] =	ssyncset.done $0x0  }
0x237: {  	s30 =	rddreg [dreg:$0x7];
	[sflag:s13] =	ssyncadd.s32 $0xFFFF8000  }
0x238: {  	[hbm4b:s30+s2] =	stream.linear.scatter [tilespmem:s24], [sflag:$0x3], $0x8000, $0x38;
	[tilespmem:$0x10400] =	vst v63  }
0x239: {  	_ =	swait.ge [sflag:s6], $0x8000  }
0x23a: {  	[sflag:s6] =	ssyncset.done $0x0  }
0x23b: {  	[sflag:s6] =	ssyncadd.s32 $0xFFFF8000  }
0x23c: {  	v3 =	vld [tilespmem:$0x300];
	_ =	sdelay $0x4  }
0x23d: {  	v48 =	vshll.u32 v3, $0x1  }
0x23e: {  	v3 =	vand.u32 $0x7, v3;
	v4 =	vand.u32 $0xFFFFFFF0, v48  }
0x23f: {  	v3 =	vor.u32 v3, v4  }
0x240: {  	v4 =	vperm.xlane v3, v0;
	_ =	sdelay $0x1  }
0x241: {  	v3 =	vperm.xlane v3, v2;
	v4 =	vadd.s32 v1, v4;
	_ =	sdelay $0x1  }
0x242: {  	v3 =	vadd.s32 v1, v3;
	_ =	sdelay $0x2  }
0x243: {  	[tilespmem:s24], [sflag:$0x1] =	stream.indirect_vreg.gather [hbm4b:s4+s2], $0x80, v4, vm0, $0xb8;
	[tilespmem:$0x10400] =	vst v63  }
0x244: {  	s30 =	simm.s32 $0xC00  }
0x245: {  	[tilespmem:s30], [sflag:$0x1] =	stream.indirect_vreg.gather [hbm4b:s4+s2], $0x80, v3, vm0, $0xb8;
	[tilespmem:$0x10400] =	vst v63  }
0x246: {  	v3 =	vld [tilespmem:$0x310];
	_ =	sdelay $0x4  }
0x247: {  	v49 =	vshll.u32 v3, $0x1  }
0x248: {  	v3 =	vand.u32 $0x7, v3;
	v4 =	vand.u32 $0xFFFFFFF0, v49  }
0x249: {  	v3 =	vor.u32 v3, v4  }
0x24a: {  	v4 =	vperm.xlane v3, v0;
	_ =	sdelay $0x1  }
0x24b: {  	v3 =	vperm.xlane v3, v2;
	v4 =	vadd.s32 v1, v4;
	_ =	sdelay $0x1  }
0x24c: {  	v3 =	vadd.s32 v1, v3;
	_ =	sdelay $0x1  }
0x24d: {  	s30 =	simm.s32 $0x1400  }
0x24e: {  	[tilespmem:s30], [sflag:$0x1] =	stream.indirect_vreg.gather [hbm4b:s4+s2], $0x80, v4, vm0, $0xb8;
	[tilespmem:$0x10400] =	vst v63  }
0x24f: {  	s20 =	simm.s32 $0x1C00  }
0x250: {  	[tilespmem:s20], [sflag:$0x1] =	stream.indirect_vreg.gather [hbm4b:s4+s2], $0x80, v3, vm0, $0xb8;
	[tilespmem:$0x10400] =	vst v63  }
0x251: {  	v3 =	vld [tilespmem:$0x320];
	_ =	sdelay $0x4  }
0x252: {  	v50 =	vshll.u32 v3, $0x1  }
0x253: {  	v3 =	vand.u32 $0x7, v3;
	v4 =	vand.u32 $0xFFFFFFF0, v50  }
0x254: {  	v3 =	vor.u32 v3, v4  }
0x255: {  	v4 =	vperm.xlane v3, v0;
	_ =	sdelay $0x1  }
0x256: {  	v3 =	vperm.xlane v3, v2;
	v4 =	vadd.s32 v1, v4;
	_ =	sdelay $0x1  }
0x257: {  	v3 =	vadd.s32 v1, v3;
	_ =	sdelay $0x1  }
0x258: {  	s20 =	simm.s32 $0x2400  }
0x259: {  	[tilespmem:s20], [sflag:$0x1] =	stream.indirect_vreg.gather [hbm4b:s4+s2], $0x80, v4, vm0, $0xb8;
	[tilespmem:$0x10400] =	vst v63  }
0x25a: {  	s30 =	simm.s32 $0x2C00  }
0x25b: {  	[tilespmem:s30], [sflag:$0x1] =	stream.indirect_vreg.gather [hbm4b:s4+s2], $0x80, v3, vm0, $0xb8;
	[tilespmem:$0x10400] =	vst v63  }
0x25c: {  	v3 =	vld [tilespmem:$0x330];
	_ =	sdelay $0x4  }
0x25d: {  	v51 =	vshll.u32 v3, $0x1  }
0x25e: {  	v3 =	vand.u32 $0x7, v3;
	v4 =	vand.u32 $0xFFFFFFF0, v51  }
0x25f: {  	v3 =	vor.u32 v3, v4  }
0x260: {  	v4 =	vperm.xlane v3, v0;
	_ =	sdelay $0x1  }
0x261: {  	v3 =	vperm.xlane v3, v2;
	v4 =	vadd.s32 v1, v4;
	_ =	sdelay $0x1  }
0x262: {  	v3 =	vadd.s32 v1, v3;
	_ =	sdelay $0x1  }
0x263: {  	s8 =	simm.s32 $0x3400  }
0x264: {  	[tilespmem:s8], [sflag:$0x1] =	stream.indirect_vreg.gather [hbm4b:s4+s2], $0x80, v4, vm0, $0xb8;
	[tilespmem:$0x10400] =	vst v63  }
0x265: {  	s11 =	simm.s32 $0x3C00  }
0x266: {  	[tilespmem:s11], [sflag:$0x1] =	stream.indirect_vreg.gather [hbm4b:s4+s2], $0x80, v3, vm0, $0xb8;
	[tilespmem:$0x10400] =	vst v63  }
0x267: {  	v3 =	vld [tilespmem:$0x340];
	_ =	sdelay $0x4  }
0x268: {  	v52 =	vshll.u32 v3, $0x1  }
0x269: {  	v3 =	vand.u32 $0x7, v3;
	v4 =	vand.u32 $0xFFFFFFF0, v52  }
0x26a: {  	v3 =	vor.u32 v3, v4  }
0x26b: {  	v4 =	vperm.xlane v3, v0;
	_ =	sdelay $0x1  }
0x26c: {  	v3 =	vperm.xlane v3, v2;
	v4 =	vadd.s32 v1, v4;
	_ =	sdelay $0x1  }
0x26d: {  	v3 =	vadd.s32 v1, v3;
	_ =	sdelay $0x1  }
0x26e: {  	s9 =	simm.s32 $0x4400  }
0x26f: {  	[tilespmem:s9], [sflag:$0x1] =	stream.indirect_vreg.gather [hbm4b:s4+s2], $0x80, v4, vm0, $0xb8;
	[tilespmem:$0x10400] =	vst v63  }
0x270: {  	s12 =	simm.s32 $0x4C00  }
0x271: {  	[tilespmem:s12], [sflag:$0x1] =	stream.indirect_vreg.gather [hbm4b:s4+s2], $0x80, v3, vm0, $0xb8;
	[tilespmem:$0x10400] =	vst v63  }
0x272: {  	v3 =	vld [tilespmem:$0x350];
	_ =	sdelay $0x4  }
0x273: {  	v53 =	vshll.u32 v3, $0x1  }
0x274: {  	v3 =	vand.u32 $0x7, v3;
	v4 =	vand.u32 $0xFFFFFFF0, v53  }
0x275: {  	v3 =	vor.u32 v3, v4  }
0x276: {  	v4 =	vperm.xlane v3, v0;
	_ =	sdelay $0x1  }
0x277: {  	v3 =	vperm.xlane v3, v2;
	v4 =	vadd.s32 v1, v4;
	_ =	sdelay $0x1  }
0x278: {  	v3 =	vadd.s32 v1, v3;
	_ =	sdelay $0x1  }
0x279: {  	s12 =	simm.s32 $0x5400  }
0x27a: {  	[tilespmem:s12], [sflag:$0x1] =	stream.indirect_vreg.gather [hbm4b:s4+s2], $0x80, v4, vm0, $0xb8;
	[tilespmem:$0x10400] =	vst v63  }
0x27b: {  	s15 =	simm.s32 $0x5C00  }
0x27c: {  	[tilespmem:s15], [sflag:$0x1] =	stream.indirect_vreg.gather [hbm4b:s4+s2], $0x80, v3, vm0, $0xb8;
	[tilespmem:$0x10400] =	vst v63  }
0x27d: {  	v3 =	vld [tilespmem:$0x360];
	_ =	sdelay $0x4  }
0x27e: {  	v54 =	vshll.u32 v3, $0x1  }
0x27f: {  	v3 =	vand.u32 $0x7, v3;
	v4 =	vand.u32 $0xFFFFFFF0, v54  }
0x280: {  	v3 =	vor.u32 v3, v4  }
0x281: {  	v4 =	vperm.xlane v3, v0;
	_ =	sdelay $0x1  }
0x282: {  	v3 =	vperm.xlane v3, v2;
	v4 =	vadd.s32 v1, v4;
	_ =	sdelay $0x1  }
0x283: {  	v3 =	vadd.s32 v1, v3;
	_ =	sdelay $0x1  }
0x284: {  	s16 =	simm.s32 $0x6400  }
0x285: {  	[tilespmem:s16], [sflag:$0x1] =	stream.indirect_vreg.gather [hbm4b:s4+s2], $0x80, v4, vm0, $0xb8;
	[tilespmem:$0x10400] =	vst v63  }
0x286: {  	s17 =	simm.s32 $0x6C00  }
0x287: {  	[tilespmem:s17], [sflag:$0x1] =	stream.indirect_vreg.gather [hbm4b:s4+s2], $0x80, v3, vm0, $0xb8;
	[tilespmem:$0x10400] =	vst v63  }
0x288: {  	v3 =	vld [tilespmem:$0x370];
	_ =	sdelay $0x4  }
0x289: {  	v55 =	vshll.u32 v3, $0x1  }
0x28a: {  	v3 =	vand.u32 $0x7, v3;
	v4 =	vand.u32 $0xFFFFFFF0, v55  }
0x28b: {  	v3 =	vor.u32 v3, v4  }
0x28c: {  	v4 =	vperm.xlane v3, v0;
	_ =	sdelay $0x1  }
0x28d: {  	v3 =	vperm.xlane v3, v2;
	v4 =	vadd.s32 v1, v4;
	_ =	sdelay $0x1  }
0x28e: {  	v3 =	vadd.s32 v1, v3;
	_ =	sdelay $0x1  }
0x28f: {  	s18 =	simm.s32 $0x7400  }
0x290: {  	[tilespmem:s18], [sflag:$0x1] =	stream.indirect_vreg.gather [hbm4b:s4+s2], $0x80, v4, vm0, $0xb8;
	[tilespmem:$0x10400] =	vst v63  }
0x291: {  	s10 =	simm.s32 $0x7C00  }
0x292: {  	[tilespmem:s10], [sflag:$0x1] =	stream.indirect_vreg.gather [hbm4b:s4+s2], $0x80, v3, vm0, $0xb8;
	[tilespmem:$0x10400] =	vst v63  }
0x293: {  	_ =	swait.ge [sflag:s14], $0x8000  }
0x294: {  	[sflag:s14] =	ssyncset.done $0x0  }
0x295: {  	s18 =	rddreg [dreg:$0x8];
	[sflag:s14] =	ssyncadd.s32 $0xFFFF8000  }
0x296: {  	[hbm4b:s18+s2] =	stream.linear.scatter [tilespmem:s23], [sflag:$0x3], $0x8000, $0x38;
	[tilespmem:$0x10400] =	vst v63  }
0x297: {  	_ =	swait.ge [sflag:s6], $0x8000  }
0x298: {  	[sflag:s6] =	ssyncset.done $0x0  }
0x299: {  	[sflag:s6] =	ssyncadd.s32 $0xFFFF8000  }
0x29a: {  	v3 =	vld [tilespmem:$0x380];
	_ =	sdelay $0x4  }
0x29b: {  	v56 =	vshll.u32 v3, $0x1  }
0x29c: {  	v3 =	vand.u32 $0x7, v3;
	v4 =	vand.u32 $0xFFFFFFF0, v56  }
0x29d: {  	v3 =	vor.u32 v3, v4  }
0x29e: {  	v4 =	vperm.xlane v3, v0;
	_ =	sdelay $0x1  }
0x29f: {  	v3 =	vperm.xlane v3, v2;
	v4 =	vadd.s32 v1, v4;
	_ =	sdelay $0x1  }
0x2a0: {  	v3 =	vadd.s32 v1, v3;
	_ =	sdelay $0x2  }
0x2a1: {  	[tilespmem:s23], [sflag:$0x2] =	stream.indirect_vreg.gather [hbm4b:s4+s2], $0x80, v4, vm0, $0xb8;
	[tilespmem:$0x10400] =	vst v63  }
0x2a2: {  	s20 =	simm.s32 $0x8C00  }
0x2a3: {  	[tilespmem:s20], [sflag:$0x2] =	stream.indirect_vreg.gather [hbm4b:s4+s2], $0x80, v3, vm0, $0xb8;
	[tilespmem:$0x10400] =	vst v63  }
0x2a4: {  	v3 =	vld [tilespmem:$0x390];
	_ =	sdelay $0x4  }
0x2a5: {  	v57 =	vshll.u32 v3, $0x1  }
0x2a6: {  	v3 =	vand.u32 $0x7, v3;
	v4 =	vand.u32 $0xFFFFFFF0, v57  }
0x2a7: {  	v3 =	vor.u32 v3, v4  }
0x2a8: {  	v4 =	vperm.xlane v3, v0;
	_ =	sdelay $0x1  }
0x2a9: {  	v3 =	vperm.xlane v3, v2;
	v4 =	vadd.s32 v1, v4;
	_ =	sdelay $0x1  }
0x2aa: {  	v3 =	vadd.s32 v1, v3;
	_ =	sdelay $0x1  }
0x2ab: {  	s0 =	simm.s32 $0x9400  }
0x2ac: {  	[tilespmem:s0], [sflag:$0x2] =	stream.indirect_vreg.gather [hbm4b:s4+s2], $0x80, v4, vm0, $0xb8;
	[tilespmem:$0x10400] =	vst v63  }
0x2ad: {  	s3 =	simm.s32 $0x9C00  }
0x2ae: {  	[tilespmem:s3], [sflag:$0x2] =	stream.indirect_vreg.gather [hbm4b:s4+s2], $0x80, v3, vm0, $0xb8;
	[tilespmem:$0x10400] =	vst v63  }
0x2af: {  	v3 =	vld [tilespmem:$0x3A0];
	_ =	sdelay $0x4  }
0x2b0: {  	v58 =	vshll.u32 v3, $0x1  }
0x2b1: {  	v3 =	vand.u32 $0x7, v3;
	v4 =	vand.u32 $0xFFFFFFF0, v58  }
0x2b2: {  	v3 =	vor.u32 v3, v4  }
0x2b3: {  	v4 =	vperm.xlane v3, v0;
	_ =	sdelay $0x1  }
0x2b4: {  	v3 =	vperm.xlane v3, v2;
	v4 =	vadd.s32 v1, v4;
	_ =	sdelay $0x1  }
0x2b5: {  	v3 =	vadd.s32 v1, v3;
	_ =	sdelay $0x1  }
0x2b6: {  	s1 =	simm.s32 $0xA400  }
0x2b7: {  	[tilespmem:s1], [sflag:$0x2] =	stream.indirect_vreg.gather [hbm4b:s4+s2], $0x80, v4, vm0, $0xb8;
	[tilespmem:$0x10400] =	vst v63  }
0x2b8: {  	s7 =	simm.s32 $0xAC00  }
0x2b9: {  	[tilespmem:s7], [sflag:$0x2] =	stream.indirect_vreg.gather [hbm4b:s4+s2], $0x80, v3, vm0, $0xb8;
	[tilespmem:$0x10400] =	vst v63  }
0x2ba: {  	v3 =	vld [tilespmem:$0x3B0];
	_ =	sdelay $0x4  }
0x2bb: {  	v59 =	vshll.u32 v3, $0x1  }
0x2bc: {  	v3 =	vand.u32 $0x7, v3;
	v4 =	vand.u32 $0xFFFFFFF0, v59  }
0x2bd: {  	v3 =	vor.u32 v3, v4  }
0x2be: {  	v4 =	vperm.xlane v3, v0;
	_ =	sdelay $0x1  }
0x2bf: {  	v3 =	vperm.xlane v3, v2;
	v4 =	vadd.s32 v1, v4;
	_ =	sdelay $0x1  }
0x2c0: {  	v3 =	vadd.s32 v1, v3;
	_ =	sdelay $0x1  }
0x2c1: {  	s26 =	simm.s32 $0xB400  }
0x2c2: {  	[tilespmem:s26], [sflag:$0x2] =	stream.indirect_vreg.gather [hbm4b:s4+s2], $0x80, v4, vm0, $0xb8;
	[tilespmem:$0x10400] =	vst v63  }
0x2c3: {  	s26 =	simm.s32 $0xBC00  }
0x2c4: {  	[tilespmem:s26], [sflag:$0x2] =	stream.indirect_vreg.gather [hbm4b:s4+s2], $0x80, v3, vm0, $0xb8;
	[tilespmem:$0x10400] =	vst v63  }
0x2c5: {  	v3 =	vld [tilespmem:$0x3C0];
	_ =	sdelay $0x4  }
0x2c6: {  	v60 =	vshll.u32 v3, $0x1  }
0x2c7: {  	v3 =	vand.u32 $0x7, v3;
	v4 =	vand.u32 $0xFFFFFFF0, v60  }
0x2c8: {  	v3 =	vor.u32 v3, v4  }
0x2c9: {  	v4 =	vperm.xlane v3, v0;
	_ =	sdelay $0x1  }
0x2ca: {  	v3 =	vperm.xlane v3, v2;
	v4 =	vadd.s32 v1, v4;
	_ =	sdelay $0x1  }
0x2cb: {  	v3 =	vadd.s32 v1, v3;
	_ =	sdelay $0x1  }
0x2cc: {  	s28 =	simm.s32 $0xC400  }
0x2cd: {  	[tilespmem:s28], [sflag:$0x2] =	stream.indirect_vreg.gather [hbm4b:s4+s2], $0x80, v4, vm0, $0xb8;
	[tilespmem:$0x10400] =	vst v63  }
0x2ce: {  	s21 =	simm.s32 $0xCC00  }
0x2cf: {  	[tilespmem:s21], [sflag:$0x2] =	stream.indirect_vreg.gather [hbm4b:s4+s2], $0x80, v3, vm0, $0xb8;
	[tilespmem:$0x10400] =	vst v63  }
0x2d0: {  	v3 =	vld [tilespmem:$0x3D0];
	_ =	sdelay $0x4  }
0x2d1: {  	v61 =	vshll.u32 v3, $0x1  }
0x2d2: {  	v3 =	vand.u32 $0x7, v3;
	v4 =	vand.u32 $0xFFFFFFF0, v61  }
0x2d3: {  	v3 =	vor.u32 v3, v4  }
0x2d4: {  	v4 =	vperm.xlane v3, v0;
	_ =	sdelay $0x1  }
0x2d5: {  	v3 =	vperm.xlane v3, v2;
	v4 =	vadd.s32 v1, v4;
	_ =	sdelay $0x1  }
0x2d6: {  	v3 =	vadd.s32 v1, v3;
	_ =	sdelay $0x1  }
0x2d7: {  	s29 =	simm.s32 $0xD400  }
0x2d8: {  	[tilespmem:s29], [sflag:$0x2] =	stream.indirect_vreg.gather [hbm4b:s4+s2], $0x80, v4, vm0, $0xb8;
	[tilespmem:$0x10400] =	vst v63  }
0x2d9: {  	s25 =	simm.s32 $0xDC00  }
0x2da: {  	[tilespmem:s25], [sflag:$0x2] =	stream.indirect_vreg.gather [hbm4b:s4+s2], $0x80, v3, vm0, $0xb8;
	[tilespmem:$0x10400] =	vst v63  }
0x2db: {  	v3 =	vld [tilespmem:$0x3E0];
	_ =	sdelay $0x4  }
0x2dc: {  	v62 =	vshll.u32 v3, $0x1  }
0x2dd: {  	v3 =	vand.u32 $0x7, v3;
	v4 =	vand.u32 $0xFFFFFFF0, v62  }
0x2de: {  	v3 =	vor.u32 v3, v4  }
0x2df: {  	v4 =	vperm.xlane v3, v0;
	_ =	sdelay $0x1  }
0x2e0: {  	v3 =	vperm.xlane v3, v2;
	v4 =	vadd.s32 v1, v4;
	_ =	sdelay $0x1  }
0x2e1: {  	v3 =	vadd.s32 v1, v3;
	_ =	sdelay $0x1  }
0x2e2: {  	s19 =	simm.s32 $0xE400  }
0x2e3: {  	[tilespmem:s19], [sflag:$0x2] =	stream.indirect_vreg.gather [hbm4b:s4+s2], $0x80, v4, vm0, $0xb8;
	[tilespmem:$0x10400] =	vst v63  }
0x2e4: {  	s22 =	simm.s32 $0xEC00  }
0x2e5: {  	[tilespmem:s22], [sflag:$0x2] =	stream.indirect_vreg.gather [hbm4b:s4+s2], $0x80, v3, vm0, $0xb8;
	[tilespmem:$0x10400] =	vst v63  }
0x2e6: {  	v3 =	vld [tilespmem:$0x3F0];
	_ =	sdelay $0x4  }
0x2e7: {  	v63 =	vshll.u32 v3, $0x1  }
0x2e8: {  	v3 =	vand.u32 $0x7, v3;
	v4 =	vand.u32 $0xFFFFFFF0, v63  }
0x2e9: {  	v3 =	vor.u32 v3, v4  }
0x2ea: {  	v4 =	vperm.xlane v3, v0;
	_ =	sdelay $0x1  }
0x2eb: {  	v3 =	vperm.xlane v3, v2;
	v4 =	vadd.s32 v1, v4;
	_ =	sdelay $0x1  }
0x2ec: {  	v3 =	vadd.s32 v1, v3;
	_ =	sdelay $0x1  }
0x2ed: {  	s29 =	simm.s32 $0xF400  }
0x2ee: {  	[tilespmem:s29], [sflag:$0x2] =	stream.indirect_vreg.gather [hbm4b:s4+s2], $0x80, v4, vm0, $0xb8;
	[tilespmem:$0x10400] =	vst v63  }
0x2ef: {  	s31 =	simm.s32 $0xFC00  }
0x2f0: {  	[tilespmem:s31], [sflag:$0x2] =	stream.indirect_vreg.gather [hbm4b:s4+s2], $0x80, v3, vm0, $0xb8;
	[tilespmem:$0x10400] =	vst v63  }
0x2f1: {  	_ =	swait.ge [sflag:s13], $0x8000  }
0x2f2: {  	[sflag:s13] =	ssyncset.done $0x0  }
0x2f3: {  	s30 =	rddreg [dreg:$0x9];
	[sflag:s13] =	ssyncadd.s32 $0xFFFF8000  }
0x2f4: {  	[hbm4b:s30+s2] =	stream.linear.scatter [tilespmem:s24], [sflag:$0x3], $0x8000, $0x38;
	[tilespmem:$0x10400] =	vst v63  }
0x2f5: {  	_ =	swait.ge [sflag:s6], $0x8000  }
0x2f6: {  	[sflag:s6] =	ssyncset.done $0x0  }
0x2f7: {  	[sflag:s6] =	ssyncadd.s32 $0xFFFF8000  }
0x2f8: {  	_ =	swait.ge [sflag:s14], $0x8000  }
0x2f9: {  	p0 =	sne.s32 s5, $0x1;
	[sflag:s14] =	ssyncset.done $0x0  }
.Ltmp0:
0x2fa: {  	s31 =	rddreg [dreg:$0xa];
	[sflag:s14] =	ssyncadd.s32 $0xFFFF8000;
	(pc) =	sbr.rel @p0 .LBB2_1-.Ltmp0, $4  }
0x2fb: {  	[hbm4b:s31+s2] =	stream.linear.scatter [tilespmem:s23], [sflag:$0x3], $0x8000, $0x38;
	[tilespmem:$0x10400] =	vst v63  }
0x2fc: {  	_ =	swait.ge [sflag:s6], $0x8000  }
0x2fd: {  	[sflag:s6] =	ssyncset.done $0x0  }
0x2fe: {  	s5 =	sadd.s32 $0xFFFFFFFF, s5;
	[sflag:s6] =	ssyncadd.s32 $0xFFFF8000  }
0x2ff: {  	_ =	sfence.sel $0x180000  }
0x300: {  	[bflag:$0x0] =	sbarrier.arrive $0xFFFF  }
0x301: {  	_ =	strace $0x90000047  }
0x302: {  	s0 =	stileid.u32;
	[bflag:$0x2] =	sbarrier.arrive $0xFFFF  }
0x303: {  	p0 =	sne.s32 s0, $0x0;
	s0 =	rddreg [dreg:$0x2]  }
0x304: {  	s0 =	sadd.s32 @!p0 $0x100000, s0  }
0x305: {  	[sflag:s0] =	ssyncadd.tile.s32 @!p0 $0x1;
	_ =	shalt  }
.Lfunc_end2:
_tile_overlayer_lowered:
.L_overlay_start_2:
0x306: {  	(tag) =	ssettag $0x2  }
0x307: {  	s0 =	rddreg [dreg:$0x0];
	s2 =	stileid.u32  }
0x308: {  	s1 =	rddreg [dreg:$0x1];
	p0 =	sne.s32 s2, $0x0  }
0x309: {  	s3 =	rddreg [dreg:$0x2];
	[bflag:$0x3] =	sbarrier.arrive $0xFFFF;
	s2 =	simm.s32 @!p0 $0x1C03  }
0x30a: {  	[timem:s3], [sflag:s2] =	dma.local @!p0 [hbm:s0], s1  }
0x30b: {  	s0 =	simm.s32 @!p0 $0x3  }
0x30c: {  	_ =	swait.ge @!p0 [sflag:s0], s1  }
0x30d: {  	s1 =	ssub.s32 @!p0 $0x0, s1;
	[sflag:s0] =	ssyncset.done @!p0 $0x0  }
0x30e: {  	[sflag:s0] =	ssyncadd.s32 @!p0 s1  }
0x30f: {  	[bflag:$0x3] =	sbarrier.arrive $0xFFFF  }
0x310: {  	_ =	shalt  }

</sc_bundles>
